<compile_context>
chip_gen: v7x
topology: tpu7x:2x2x1
jax: 0.10.2.dev20260603
libtpu: 0.0.44.dev20260713+nightly
codegen_flags: <defaults>
</compile_context>

<pallas_src>
import jax
import jax.numpy as jnp
from jax import lax
from jax.experimental import pallas as pl
from jax.experimental.pallas import tpu as pltpu
from jax.experimental.pallas import tpu_sc as plsc

_B = 100000
_NL = 4
_DIMS = (16, 32, 32, 48)
_OFFS = (0, 16, 48, 80)
_OUT_D = 128
_NC, _NS = 2, 16
_NW = _NC * _NS
_SG = 128
_GPC = 2
_C = _SG * _GPC
_K = _B // _C
_TAIL = _B - _K * _C
_BACK = _C - _TAIL
_NKMAX = 13
_PMAX = -(-_NKMAX // 2)
_SPAN = _NKMAX * _C
_TAILW = _NW - 1


def _body(c0, c1, c2, c3, t0, t1, t2, t3, out,
          ix0, ix1, ix2, ix3, a0, a1, a2, a3, b0, b1, b2, b3,
          gsem, wsem0, wsem1):
    cols = (c0, c1, c2, c3)
    idxs = (ix0, ix1, ix2, ix3)
    tabs = (t0, t1, t2, t3)
    rows = ((a0, a1, a2, a3), (b0, b1, b2, b3))
    wsems = (wsem0, wsem1)
    wid = lax.axis_index("s") * _NC + lax.axis_index("c")
    base_k = 12 * wid + jnp.minimum(wid, 6)
    nk = jnp.where(wid < 6, 13, 12)

    def out_slc(s, l):
        return out.at[pl.ds(s, _C), pl.ds(_OFFS[l], _DIMS[l])]

    rb = pl.multiple_of(base_k * _C, _C)

    @pl.when(wid < 6)
    def _stage13():
        for cp in [pltpu.async_copy(cols[l].at[pl.ds(rb, 13 * _C)],
                                    idxs[l], gsem)
                   for l in range(_NL)]:
            cp.wait()

    @pl.when(wid >= 6)
    def _stage12():
        for cp in [pltpu.async_copy(cols[l].at[pl.ds(rb, 12 * _C)],
                                    idxs[l].at[pl.ds(0, 12 * _C)], gsem)
                   for l in range(_NL)]:
            cp.wait()

    @pl.when(wid == _TAILW)
    def _stage_tail():
        for cp in [pltpu.async_copy(cols[l].at[pl.ds(_K * _C - _BACK, _C)],
                                    idxs[l].at[pl.ds(12 * _C, _C)], gsem)
                   for l in range(_NL)]:
            cp.wait()

    def gather_all(i, rowset):
        return [
            pltpu.async_copy(
                tabs[l].at[idxs[l].at[pl.ds((i * _GPC + j) * _SG, _SG)]],
                rowset[l].at[pl.ds(j * _SG, _SG)], gsem)
            for l in range(_NL) for j in range(_GPC)
        ]

    def wait_gathers(i, rowset):
        for l in range(_NL):
            for j in range(_GPC):
                pltpu.make_async_copy(
                    tabs[l].at[idxs[l].at[pl.ds((i * _GPC + j) * _SG, _SG)]],
                    rowset[l].at[pl.ds(j * _SG, _SG)], gsem).wait()

    gather_all(0, rows[0])

    def chunk(i, b):
        s = pl.multiple_of((base_k + i) * _C, _C)

        wait_gathers(i, rows[b])

        for l in range(_NL):
            pltpu.async_copy(rows[b][l], out_slc(s, l), wsems[b])

        @pl.when(i >= 1)
        def _drain():
            for l in range(_NL):
                pltpu.make_async_copy(rows[1 - b][l], out_slc(s, l),
                                      wsems[1 - b]).wait()

        @pl.when(i + 1 < nk)
        def _next():
            gather_all(i + 1, rows[1 - b])

    def pair(p, carry):
        for b in (0, 1):
            i = 2 * p + b

            @pl.when(i < nk)
            def _():
                chunk(i, b)

        return carry

    lax.fori_loop(0, _PMAX, pair, 0)

    for b in (0, 1):
        @pl.when((nk - 1) % 2 == b)
        def _():
            for l in range(_NL):
                pltpu.make_async_copy(rows[b][l], out_slc(0, l),
                                      wsems[b]).wait()

    @pl.when(wid == _TAILW)
    def _tail():
        gather_all(12, rows[0])
        wait_gathers(12, rows[0])
        wcps = [
            pltpu.async_copy(
                rows[0][l].at[pl.ds(_BACK, _TAIL)],
                out.at[pl.ds(_K * _C, _TAIL), pl.ds(_OFFS[l], _DIMS[l])],
                wsems[0])
            for l in range(_NL)
        ]
        for cp in wcps:
            cp.wait()


@jax.jit
def kernel(code_levels, table_0, table_1, table_2, table_3):
    cols = [code_levels[:, l] for l in range(_NL)]
    run = pl.kernel(
        _body,
        out_type=jax.ShapeDtypeStruct((_B, _OUT_D), jnp.float32),
        mesh=plsc.VectorSubcoreMesh(core_axis_name="c", subcore_axis_name="s",
                                    num_cores=_NC, num_subcores=_NS),
        scratch_types=[
            pltpu.VMEM((_SPAN,), jnp.int32),
            pltpu.VMEM((_SPAN,), jnp.int32),
            pltpu.VMEM((_SPAN,), jnp.int32),
            pltpu.VMEM((_SPAN,), jnp.int32),
            pltpu.VMEM((_C, _DIMS[0]), jnp.float32),
            pltpu.VMEM((_C, _DIMS[1]), jnp.float32),
            pltpu.VMEM((_C, _DIMS[2]), jnp.float32),
            pltpu.VMEM((_C, _DIMS[3]), jnp.float32),
            pltpu.VMEM((_C, _DIMS[0]), jnp.float32),
            pltpu.VMEM((_C, _DIMS[1]), jnp.float32),
            pltpu.VMEM((_C, _DIMS[2]), jnp.float32),
            pltpu.VMEM((_C, _DIMS[3]), jnp.float32),
            pltpu.SemaphoreType.DMA,
            pltpu.SemaphoreType.DMA,
            pltpu.SemaphoreType.DMA,
        ],
        compiler_params=pltpu.CompilerParams(use_tc_tiling_on_sc=False),
    )
    return run(cols[0], cols[1], cols[2], cols[3],
               table_0, table_1, table_2, table_3)

# --- scband reference (transcript-rebuilt; emitter-appended) ---
"""Pipeline reference for scband-hierarchical-embedding-34368328303049 (READ-ONLY COPY).

The authoritative reference and input builder live on the scoring server;
editing this copy changes nothing except your own understanding.
"""

import jax, jax.numpy as jnp
import numpy as np

NUM_CODES = 100000
NUM_LEVELS = 4
LEVEL_SIZES = [128, 1024, 16384, 100000]
LEVEL_DIMS = [16, 32, 32, 48]


def setup_inputs(seed: int = 0) -> dict:
    key = jax.random.key(seed)
    keys = jax.random.split(key, 2 * NUM_LEVELS)
    # code_levels[:, i] indexes into level-i embedding table; each column
    # is drawn in-range for its own level vocabulary.
    cols = [
        jax.random.randint(keys[i], (NUM_CODES,), 0, LEVEL_SIZES[i], dtype=jnp.int32)
        for i in range(NUM_LEVELS)
    ]
    code_levels = jnp.stack(cols, axis=1)
    inp = {"code_levels": code_levels}
    for i in range(NUM_LEVELS):
        inp[f"table_{i}"] = (
            jax.random.normal(keys[NUM_LEVELS + i], (LEVEL_SIZES[i], LEVEL_DIMS[i]), dtype=jnp.float32)
            * 0.02
        )
    return inp


def reference(code_levels, table_0, table_1, table_2, table_3):
    tables = [table_0, table_1, table_2, table_3]
    level_embs = []
    for level_idx, table in enumerate(tables):
        indices = code_levels[:, level_idx]
        level_embs.append(jnp.take(table, indices, axis=0))
    return jnp.concatenate(level_embs, axis=-1)

if __name__ == "__main__":
    import jax
    _d = setup_inputs()
    print(jax.jit(kernel)(*tuple(_d.values())))

</pallas_src>

<mosaic_0001>
#map = affine_map<(d0, d1) -> (0)>
#map1 = affine_map<(d0, d1) -> (0, 0)>
module attributes {stable_mosaic.version = 14 : i64} {
  func.func @_body(%arg0: i32, %arg1: i32, %arg2: memref<100000xi32, #tpu.memory_space<hbm>>, %arg3: memref<100000xi32, #tpu.memory_space<hbm>>, %arg4: memref<100000xi32, #tpu.memory_space<hbm>>, %arg5: memref<100000xi32, #tpu.memory_space<hbm>>, %arg6: memref<128x16xf32, #tpu.memory_space<hbm>>, %arg7: memref<1024x32xf32, #tpu.memory_space<hbm>>, %arg8: memref<16384x32xf32, #tpu.memory_space<hbm>>, %arg9: memref<100000x48xf32, #tpu.memory_space<hbm>>, %arg10: memref<100000x128xf32, #tpu.memory_space<hbm>>, %arg11: memref<3328xi32, #tpu.memory_space<vmem>>, %arg12: memref<3328xi32, #tpu.memory_space<vmem>>, %arg13: memref<3328xi32, #tpu.memory_space<vmem>>, %arg14: memref<3328xi32, #tpu.memory_space<vmem>>, %arg15: memref<256x16xf32, #tpu.memory_space<vmem>>, %arg16: memref<256x32xf32, #tpu.memory_space<vmem>>, %arg17: memref<256x32xf32, #tpu.memory_space<vmem>>, %arg18: memref<256x48xf32, #tpu.memory_space<vmem>>, %arg19: memref<256x16xf32, #tpu.memory_space<vmem>>, %arg20: memref<256x32xf32, #tpu.memory_space<vmem>>, %arg21: memref<256x32xf32, #tpu.memory_space<vmem>>, %arg22: memref<256x48xf32, #tpu.memory_space<vmem>>, %arg23: memref<!tpu.dma_semaphore, #tpu.memory_space<semaphore_mem>>, %arg24: memref<!tpu.dma_semaphore, #tpu.memory_space<semaphore_mem>>, %arg25: memref<!tpu.dma_semaphore, #tpu.memory_space<semaphore_mem>>) attributes {dimension_semantics = [#tpu.dimension_semantics<core_parallel>, #tpu.dimension_semantics<subcore_parallel>], iteration_bounds = array<i64: 2, 16>, scalar_prefetch = 0 : i64, scratch_operands = 15 : i64, tpu.core_type = #tpu.core_type<sc_vector_subcore>, window_params = [{transform_indices = #map}, {transform_indices = #map}, {transform_indices = #map}, {transform_indices = #map}, {transform_indices = #map1}, {transform_indices = #map1}, {transform_indices = #map1}, {transform_indices = #map1}, {transform_indices = #map1}]} {
    %mul3A = arith.constant 2 : i32
    %mul3A_0 = arith.muli %arg1, %mul3A : i32
    %add3A = arith.addi %mul3A_0, %arg0 : i32
    %mul3A_1 = arith.constant 12 : i32
    %mul3A_2 = arith.muli %mul3A_1, %add3A : i32
    %min3A = arith.constant 6 : i32
    %min3A_3 = arith.minsi %add3A, %min3A : i32
    %add3A_4 = arith.addi %mul3A_2, %min3A_3 : i32
    %lt3A = arith.constant 6 : i32
    %lt3A_5 = arith.cmpi slt, %add3A, %lt3A : i32
    %jit3A = arith.constant 13 : i32
    %jit3A_6 = arith.constant 12 : i32
    %select_n3A = arith.select %lt3A_5, %jit3A, %jit3A_6 : i32
    %mul3A_7 = arith.constant 256 : i32
    %mul3A_8 = arith.muli %add3A_4, %mul3A_7 : i32
    %multiple_of3A = tpu.assume_multiple %mul3A_8, 256 : i32
    %lt3A_9 = arith.constant 6 : i32
    %lt3A_10 = arith.cmpi slt, %add3A, %lt3A_9 : i32
    %convert_element_type3A = arith.extui %lt3A_10 : i1 to i32
    %cond3A = arith.constant 0 : i32
    %cond3A_11 = arith.cmpi ne, %convert_element_type3A, %cond3A : i32
    scf.if %cond3A_11 {
      %dma_start3A_135 = tpu.memref_slice %arg2[%multiple_of3A] : memref<100000xi32, #tpu.memory_space<hbm>> -> memref<3328xi32, #tpu.memory_space<hbm>>
      %dma_start3A_136 = tpu.memref_slice %arg2[%multiple_of3A] : memref<100000xi32, #tpu.memory_space<hbm>> -> memref<3328xi32, #tpu.memory_space<hbm>>
      tpu.enqueue_dma source(%dma_start3A_136 : memref<3328xi32, #tpu.memory_space<hbm>>) target(%arg11 : memref<3328xi32, #tpu.memory_space<vmem>>) target_semaphore(%arg23 : memref<!tpu.dma_semaphore, #tpu.memory_space<semaphore_mem>>)
      %dma_start3A_137 = tpu.memref_slice %arg3[%multiple_of3A] : memref<100000xi32, #tpu.memory_space<hbm>> -> memref<3328xi32, #tpu.memory_space<hbm>>
      %dma_start3A_138 = tpu.memref_slice %arg3[%multiple_of3A] : memref<100000xi32, #tpu.memory_space<hbm>> -> memref<3328xi32, #tpu.memory_space<hbm>>
      tpu.enqueue_dma source(%dma_start3A_138 : memref<3328xi32, #tpu.memory_space<hbm>>) target(%arg12 : memref<3328xi32, #tpu.memory_space<vmem>>) target_semaphore(%arg23 : memref<!tpu.dma_semaphore, #tpu.memory_space<semaphore_mem>>)
      %dma_start3A_139 = tpu.memref_slice %arg4[%multiple_of3A] : memref<100000xi32, #tpu.memory_space<hbm>> -> memref<3328xi32, #tpu.memory_space<hbm>>
      %dma_start3A_140 = tpu.memref_slice %arg4[%multiple_of3A] : memref<100000xi32, #tpu.memory_space<hbm>> -> memref<3328xi32, #tpu.memory_space<hbm>>
      tpu.enqueue_dma source(%dma_start3A_140 : memref<3328xi32, #tpu.memory_space<hbm>>) target(%arg13 : memref<3328xi32, #tpu.memory_space<vmem>>) target_semaphore(%arg23 : memref<!tpu.dma_semaphore, #tpu.memory_space<semaphore_mem>>)
      %dma_start3A_141 = tpu.memref_slice %arg5[%multiple_of3A] : memref<100000xi32, #tpu.memory_space<hbm>> -> memref<3328xi32, #tpu.memory_space<hbm>>
      %dma_start3A_142 = tpu.memref_slice %arg5[%multiple_of3A] : memref<100000xi32, #tpu.memory_space<hbm>> -> memref<3328xi32, #tpu.memory_space<hbm>>
      tpu.enqueue_dma source(%dma_start3A_142 : memref<3328xi32, #tpu.memory_space<hbm>>) target(%arg14 : memref<3328xi32, #tpu.memory_space<vmem>>) target_semaphore(%arg23 : memref<!tpu.dma_semaphore, #tpu.memory_space<semaphore_mem>>)
      %dma_wait3A = tpu.memref_slice %arg2[%multiple_of3A] : memref<100000xi32, #tpu.memory_space<hbm>> -> memref<3328xi32, #tpu.memory_space<hbm>>
      %dma_wait3A_143 = tpu.memref_slice %arg2[%multiple_of3A] : memref<100000xi32, #tpu.memory_space<hbm>> -> memref<3328xi32, #tpu.memory_space<hbm>>
      tpu.wait_dma2 semaphore(%arg23 : memref<!tpu.dma_semaphore, #tpu.memory_space<semaphore_mem>>) src(%dma_wait3A_143 : memref<3328xi32, #tpu.memory_space<hbm>>) dst(%arg11 : memref<3328xi32, #tpu.memory_space<vmem>>)
      %dma_wait3A_144 = tpu.memref_slice %arg3[%multiple_of3A] : memref<100000xi32, #tpu.memory_space<hbm>> -> memref<3328xi32, #tpu.memory_space<hbm>>
      %dma_wait3A_145 = tpu.memref_slice %arg3[%multiple_of3A] : memref<100000xi32, #tpu.memory_space<hbm>> -> memref<3328xi32, #tpu.memory_space<hbm>>
      tpu.wait_dma2 semaphore(%arg23 : memref<!tpu.dma_semaphore, #tpu.memory_space<semaphore_mem>>) src(%dma_wait3A_145 : memref<3328xi32, #tpu.memory_space<hbm>>) dst(%arg12 : memref<3328xi32, #tpu.memory_space<vmem>>)
      %dma_wait3A_146 = tpu.memref_slice %arg4[%multiple_of3A] : memref<100000xi32, #tpu.memory_space<hbm>> -> memref<3328xi32, #tpu.memory_space<hbm>>
      %dma_wait3A_147 = tpu.memref_slice %arg4[%multiple_of3A] : memref<100000xi32, #tpu.memory_space<hbm>> -> memref<3328xi32, #tpu.memory_space<hbm>>
      tpu.wait_dma2 semaphore(%arg23 : memref<!tpu.dma_semaphore, #tpu.memory_space<semaphore_mem>>) src(%dma_wait3A_147 : memref<3328xi32, #tpu.memory_space<hbm>>) dst(%arg13 : memref<3328xi32, #tpu.memory_space<vmem>>)
      %dma_wait3A_148 = tpu.memref_slice %arg5[%multiple_of3A] : memref<100000xi32, #tpu.memory_space<hbm>> -> memref<3328xi32, #tpu.memory_space<hbm>>
      %dma_wait3A_149 = tpu.memref_slice %arg5[%multiple_of3A] : memref<100000xi32, #tpu.memory_space<hbm>> -> memref<3328xi32, #tpu.memory_space<hbm>>
      tpu.wait_dma2 semaphore(%arg23 : memref<!tpu.dma_semaphore, #tpu.memory_space<semaphore_mem>>) src(%dma_wait3A_149 : memref<3328xi32, #tpu.memory_space<hbm>>) dst(%arg14 : memref<3328xi32, #tpu.memory_space<vmem>>)
    } else {
    }
    %ge3A = arith.constant 6 : i32
    %ge3A_12 = arith.cmpi sge, %add3A, %ge3A : i32
    %convert_element_type3A_13 = arith.extui %ge3A_12 : i1 to i32
    %cond3A_14 = arith.constant 0 : i32
    %cond3A_15 = arith.cmpi ne, %convert_element_type3A_13, %cond3A_14 : i32
    scf.if %cond3A_15 {
      %dma_start3A_135 = arith.constant 0 : i32
      %dma_start3A_136 = tpu.memref_slice %arg11[%dma_start3A_135] : memref<3328xi32, #tpu.memory_space<vmem>> -> memref<3072xi32, #tpu.memory_space<vmem>>
      %dma_start3A_137 = tpu.memref_slice %arg2[%multiple_of3A] : memref<100000xi32, #tpu.memory_space<hbm>> -> memref<3072xi32, #tpu.memory_space<hbm>>
      %dma_start3A_138 = arith.constant 0 : i32
      %dma_start3A_139 = tpu.memref_slice %arg11[%dma_start3A_138] : memref<3328xi32, #tpu.memory_space<vmem>> -> memref<3072xi32, #tpu.memory_space<vmem>>
      %dma_start3A_140 = tpu.memref_slice %arg2[%multiple_of3A] : memref<100000xi32, #tpu.memory_space<hbm>> -> memref<3072xi32, #tpu.memory_space<hbm>>
      tpu.enqueue_dma source(%dma_start3A_140 : memref<3072xi32, #tpu.memory_space<hbm>>) target(%dma_start3A_139 : memref<3072xi32, #tpu.memory_space<vmem>>) target_semaphore(%arg23 : memref<!tpu.dma_semaphore, #tpu.memory_space<semaphore_mem>>)
      %dma_start3A_141 = arith.constant 0 : i32
      %dma_start3A_142 = tpu.memref_slice %arg12[%dma_start3A_141] : memref<3328xi32, #tpu.memory_space<vmem>> -> memref<3072xi32, #tpu.memory_space<vmem>>
      %dma_start3A_143 = tpu.memref_slice %arg3[%multiple_of3A] : memref<100000xi32, #tpu.memory_space<hbm>> -> memref<3072xi32, #tpu.memory_space<hbm>>
      %dma_start3A_144 = arith.constant 0 : i32
      %dma_start3A_145 = tpu.memref_slice %arg12[%dma_start3A_144] : memref<3328xi32, #tpu.memory_space<vmem>> -> memref<3072xi32, #tpu.memory_space<vmem>>
      %dma_start3A_146 = tpu.memref_slice %arg3[%multiple_of3A] : memref<100000xi32, #tpu.memory_space<hbm>> -> memref<3072xi32, #tpu.memory_space<hbm>>
      tpu.enqueue_dma source(%dma_start3A_146 : memref<3072xi32, #tpu.memory_space<hbm>>) target(%dma_start3A_145 : memref<3072xi32, #tpu.memory_space<vmem>>) target_semaphore(%arg23 : memref<!tpu.dma_semaphore, #tpu.memory_space<semaphore_mem>>)
      %dma_start3A_147 = arith.constant 0 : i32
      %dma_start3A_148 = tpu.memref_slice %arg13[%dma_start3A_147] : memref<3328xi32, #tpu.memory_space<vmem>> -> memref<3072xi32, #tpu.memory_space<vmem>>
      %dma_start3A_149 = tpu.memref_slice %arg4[%multiple_of3A] : memref<100000xi32, #tpu.memory_space<hbm>> -> memref<3072xi32, #tpu.memory_space<hbm>>
      %dma_start3A_150 = arith.constant 0 : i32
      %dma_start3A_151 = tpu.memref_slice %arg13[%dma_start3A_150] : memref<3328xi32, #tpu.memory_space<vmem>> -> memref<3072xi32, #tpu.memory_space<vmem>>
      %dma_start3A_152 = tpu.memref_slice %arg4[%multiple_of3A] : memref<100000xi32, #tpu.memory_space<hbm>> -> memref<3072xi32, #tpu.memory_space<hbm>>
      tpu.enqueue_dma source(%dma_start3A_152 : memref<3072xi32, #tpu.memory_space<hbm>>) target(%dma_start3A_151 : memref<3072xi32, #tpu.memory_space<vmem>>) target_semaphore(%arg23 : memref<!tpu.dma_semaphore, #tpu.memory_space<semaphore_mem>>)
      %dma_start3A_153 = arith.constant 0 : i32
      %dma_start3A_154 = tpu.memref_slice %arg14[%dma_start3A_153] : memref<3328xi32, #tpu.memory_space<vmem>> -> memref<3072xi32, #tpu.memory_space<vmem>>
      %dma_start3A_155 = tpu.memref_slice %arg5[%multiple_of3A] : memref<100000xi32, #tpu.memory_space<hbm>> -> memref<3072xi32, #tpu.memory_space<hbm>>
      %dma_start3A_156 = arith.constant 0 : i32
      %dma_start3A_157 = tpu.memref_slice %arg14[%dma_start3A_156] : memref<3328xi32, #tpu.memory_space<vmem>> -> memref<3072xi32, #tpu.memory_space<vmem>>
      %dma_start3A_158 = tpu.memref_slice %arg5[%multiple_of3A] : memref<100000xi32, #tpu.memory_space<hbm>> -> memref<3072xi32, #tpu.memory_space<hbm>>
      tpu.enqueue_dma source(%dma_start3A_158 : memref<3072xi32, #tpu.memory_space<hbm>>) target(%dma_start3A_157 : memref<3072xi32, #tpu.memory_space<vmem>>) target_semaphore(%arg23 : memref<!tpu.dma_semaphore, #tpu.memory_space<semaphore_mem>>)
      %dma_wait3A = arith.constant 0 : i32
      %dma_wait3A_159 = tpu.memref_slice %arg11[%dma_wait3A] : memref<3328xi32, #tpu.memory_space<vmem>> -> memref<3072xi32, #tpu.memory_space<vmem>>
      %dma_wait3A_160 = tpu.memref_slice %arg2[%multiple_of3A] : memref<100000xi32, #tpu.memory_space<hbm>> -> memref<3072xi32, #tpu.memory_space<hbm>>
      %dma_wait3A_161 = arith.constant 0 : i32
      %dma_wait3A_162 = tpu.memref_slice %arg11[%dma_wait3A_161] : memref<3328xi32, #tpu.memory_space<vmem>> -> memref<3072xi32, #tpu.memory_space<vmem>>
      %dma_wait3A_163 = tpu.memref_slice %arg2[%multiple_of3A] : memref<100000xi32, #tpu.memory_space<hbm>> -> memref<3072xi32, #tpu.memory_space<hbm>>
      tpu.wait_dma2 semaphore(%arg23 : memref<!tpu.dma_semaphore, #tpu.memory_space<semaphore_mem>>) src(%dma_wait3A_163 : memref<3072xi32, #tpu.memory_space<hbm>>) dst(%dma_wait3A_162 : memref<3072xi32, #tpu.memory_space<vmem>>)
      %dma_wait3A_164 = arith.constant 0 : i32
      %dma_wait3A_165 = tpu.memref_slice %arg12[%dma_wait3A_164] : memref<3328xi32, #tpu.memory_space<vmem>> -> memref<3072xi32, #tpu.memory_space<vmem>>
      %dma_wait3A_166 = tpu.memref_slice %arg3[%multiple_of3A] : memref<100000xi32, #tpu.memory_space<hbm>> -> memref<3072xi32, #tpu.memory_space<hbm>>
      %dma_wait3A_167 = arith.constant 0 : i32
      %dma_wait3A_168 = tpu.memref_slice %arg12[%dma_wait3A_167] : memref<3328xi32, #tpu.memory_space<vmem>> -> memref<3072xi32, #tpu.memory_space<vmem>>
      %dma_wait3A_169 = tpu.memref_slice %arg3[%multiple_of3A] : memref<100000xi32, #tpu.memory_space<hbm>> -> memref<3072xi32, #tpu.memory_space<hbm>>
      tpu.wait_dma2 semaphore(%arg23 : memref<!tpu.dma_semaphore, #tpu.memory_space<semaphore_mem>>) src(%dma_wait3A_169 : memref<3072xi32, #tpu.memory_space<hbm>>) dst(%dma_wait3A_168 : memref<3072xi32, #tpu.memory_space<vmem>>)
      %dma_wait3A_170 = arith.constant 0 : i32
      %dma_wait3A_171 = tpu.memref_slice %arg13[%dma_wait3A_170] : memref<3328xi32, #tpu.memory_space<vmem>> -> memref<3072xi32, #tpu.memory_space<vmem>>
      %dma_wait3A_172 = tpu.memref_slice %arg4[%multiple_of3A] : memref<100000xi32, #tpu.memory_space<hbm>> -> memref<3072xi32, #tpu.memory_space<hbm>>
      %dma_wait3A_173 = arith.constant 0 : i32
      %dma_wait3A_174 = tpu.memref_slice %arg13[%dma_wait3A_173] : memref<3328xi32, #tpu.memory_space<vmem>> -> memref<3072xi32, #tpu.memory_space<vmem>>
      %dma_wait3A_175 = tpu.memref_slice %arg4[%multiple_of3A] : memref<100000xi32, #tpu.memory_space<hbm>> -> memref<3072xi32, #tpu.memory_space<hbm>>
      tpu.wait_dma2 semaphore(%arg23 : memref<!tpu.dma_semaphore, #tpu.memory_space<semaphore_mem>>) src(%dma_wait3A_175 : memref<3072xi32, #tpu.memory_space<hbm>>) dst(%dma_wait3A_174 : memref<3072xi32, #tpu.memory_space<vmem>>)
      %dma_wait3A_176 = arith.constant 0 : i32
      %dma_wait3A_177 = tpu.memref_slice %arg14[%dma_wait3A_176] : memref<3328xi32, #tpu.memory_space<vmem>> -> memref<3072xi32, #tpu.memory_space<vmem>>
      %dma_wait3A_178 = tpu.memref_slice %arg5[%multiple_of3A] : memref<100000xi32, #tpu.memory_space<hbm>> -> memref<3072xi32, #tpu.memory_space<hbm>>
      %dma_wait3A_179 = arith.constant 0 : i32
      %dma_wait3A_180 = tpu.memref_slice %arg14[%dma_wait3A_179] : memref<3328xi32, #tpu.memory_space<vmem>> -> memref<3072xi32, #tpu.memory_space<vmem>>
      %dma_wait3A_181 = tpu.memref_slice %arg5[%multiple_of3A] : memref<100000xi32, #tpu.memory_space<hbm>> -> memref<3072xi32, #tpu.memory_space<hbm>>
      tpu.wait_dma2 semaphore(%arg23 : memref<!tpu.dma_semaphore, #tpu.memory_space<semaphore_mem>>) src(%dma_wait3A_181 : memref<3072xi32, #tpu.memory_space<hbm>>) dst(%dma_wait3A_180 : memref<3072xi32, #tpu.memory_space<vmem>>)
    } else {
    }
    %eq3A = arith.constant 31 : i32
    %eq3A_16 = arith.cmpi eq, %add3A, %eq3A : i32
    %convert_element_type3A_17 = arith.extui %eq3A_16 : i1 to i32
    %cond3A_18 = arith.constant 0 : i32
    %cond3A_19 = arith.cmpi ne, %convert_element_type3A_17, %cond3A_18 : i32
    scf.if %cond3A_19 {
      %dma_start3A_135 = arith.constant 3072 : i32
      %dma_start3A_136 = tpu.memref_slice %arg11[%dma_start3A_135] : memref<3328xi32, #tpu.memory_space<vmem>> -> memref<256xi32, #tpu.memory_space<vmem>>
      %dma_start3A_137 = arith.constant 99744 : i32
      %dma_start3A_138 = tpu.memref_slice %arg2[%dma_start3A_137] : memref<100000xi32, #tpu.memory_space<hbm>> -> memref<256xi32, #tpu.memory_space<hbm>>
      %dma_start3A_139 = arith.constant 3072 : i32
      %dma_start3A_140 = tpu.memref_slice %arg11[%dma_start3A_139] : memref<3328xi32, #tpu.memory_space<vmem>> -> memref<256xi32, #tpu.memory_space<vmem>>
      %dma_start3A_141 = arith.constant 99744 : i32
      %dma_start3A_142 = tpu.memref_slice %arg2[%dma_start3A_141] : memref<100000xi32, #tpu.memory_space<hbm>> -> memref<256xi32, #tpu.memory_space<hbm>>
      tpu.enqueue_dma source(%dma_start3A_142 : memref<256xi32, #tpu.memory_space<hbm>>) target(%dma_start3A_140 : memref<256xi32, #tpu.memory_space<vmem>>) target_semaphore(%arg23 : memref<!tpu.dma_semaphore, #tpu.memory_space<semaphore_mem>>)
      %dma_start3A_143 = arith.constant 3072 : i32
      %dma_start3A_144 = tpu.memref_slice %arg12[%dma_start3A_143] : memref<3328xi32, #tpu.memory_space<vmem>> -> memref<256xi32, #tpu.memory_space<vmem>>
      %dma_start3A_145 = arith.constant 99744 : i32
      %dma_start3A_146 = tpu.memref_slice %arg3[%dma_start3A_145] : memref<100000xi32, #tpu.memory_space<hbm>> -> memref<256xi32, #tpu.memory_space<hbm>>
      %dma_start3A_147 = arith.constant 3072 : i32
      %dma_start3A_148 = tpu.memref_slice %arg12[%dma_start3A_147] : memref<3328xi32, #tpu.memory_space<vmem>> -> memref<256xi32, #tpu.memory_space<vmem>>
      %dma_start3A_149 = arith.constant 99744 : i32
      %dma_start3A_150 = tpu.memref_slice %arg3[%dma_start3A_149] : memref<100000xi32, #tpu.memory_space<hbm>> -> memref<256xi32, #tpu.memory_space<hbm>>
      tpu.enqueue_dma source(%dma_start3A_150 : memref<256xi32, #tpu.memory_space<hbm>>) target(%dma_start3A_148 : memref<256xi32, #tpu.memory_space<vmem>>) target_semaphore(%arg23 : memref<!tpu.dma_semaphore, #tpu.memory_space<semaphore_mem>>)
      %dma_start3A_151 = arith.constant 3072 : i32
      %dma_start3A_152 = tpu.memref_slice %arg13[%dma_start3A_151] : memref<3328xi32, #tpu.memory_space<vmem>> -> memref<256xi32, #tpu.memory_space<vmem>>
      %dma_start3A_153 = arith.constant 99744 : i32
      %dma_start3A_154 = tpu.memref_slice %arg4[%dma_start3A_153] : memref<100000xi32, #tpu.memory_space<hbm>> -> memref<256xi32, #tpu.memory_space<hbm>>
      %dma_start3A_155 = arith.constant 3072 : i32
      %dma_start3A_156 = tpu.memref_slice %arg13[%dma_start3A_155] : memref<3328xi32, #tpu.memory_space<vmem>> -> memref<256xi32, #tpu.memory_space<vmem>>
      %dma_start3A_157 = arith.constant 99744 : i32
      %dma_start3A_158 = tpu.memref_slice %arg4[%dma_start3A_157] : memref<100000xi32, #tpu.memory_space<hbm>> -> memref<256xi32, #tpu.memory_space<hbm>>
      tpu.enqueue_dma source(%dma_start3A_158 : memref<256xi32, #tpu.memory_space<hbm>>) target(%dma_start3A_156 : memref<256xi32, #tpu.memory_space<vmem>>) target_semaphore(%arg23 : memref<!tpu.dma_semaphore, #tpu.memory_space<semaphore_mem>>)
      %dma_start3A_159 = arith.constant 3072 : i32
      %dma_start3A_160 = tpu.memref_slice %arg14[%dma_start3A_159] : memref<3328xi32, #tpu.memory_space<vmem>> -> memref<256xi32, #tpu.memory_space<vmem>>
      %dma_start3A_161 = arith.constant 99744 : i32
      %dma_start3A_162 = tpu.memref_slice %arg5[%dma_start3A_161] : memref<100000xi32, #tpu.memory_space<hbm>> -> memref<256xi32, #tpu.memory_space<hbm>>
      %dma_start3A_163 = arith.constant 3072 : i32
      %dma_start3A_164 = tpu.memref_slice %arg14[%dma_start3A_163] : memref<3328xi32, #tpu.memory_space<vmem>> -> memref<256xi32, #tpu.memory_space<vmem>>
      %dma_start3A_165 = arith.constant 99744 : i32
      %dma_start3A_166 = tpu.memref_slice %arg5[%dma_start3A_165] : memref<100000xi32, #tpu.memory_space<hbm>> -> memref<256xi32, #tpu.memory_space<hbm>>
      tpu.enqueue_dma source(%dma_start3A_166 : memref<256xi32, #tpu.memory_space<hbm>>) target(%dma_start3A_164 : memref<256xi32, #tpu.memory_space<vmem>>) target_semaphore(%arg23 : memref<!tpu.dma_semaphore, #tpu.memory_space<semaphore_mem>>)
      %dma_wait3A = arith.constant 3072 : i32
      %dma_wait3A_167 = tpu.memref_slice %arg11[%dma_wait3A] : memref<3328xi32, #tpu.memory_space<vmem>> -> memref<256xi32, #tpu.memory_space<vmem>>
      %dma_wait3A_168 = arith.constant 99744 : i32
      %dma_wait3A_169 = tpu.memref_slice %arg2[%dma_wait3A_168] : memref<100000xi32, #tpu.memory_space<hbm>> -> memref<256xi32, #tpu.memory_space<hbm>>
      %dma_wait3A_170 = arith.constant 3072 : i32
      %dma_wait3A_171 = tpu.memref_slice %arg11[%dma_wait3A_170] : memref<3328xi32, #tpu.memory_space<vmem>> -> memref<256xi32, #tpu.memory_space<vmem>>
      %dma_wait3A_172 = arith.constant 99744 : i32
      %dma_wait3A_173 = tpu.memref_slice %arg2[%dma_wait3A_172] : memref<100000xi32, #tpu.memory_space<hbm>> -> memref<256xi32, #tpu.memory_space<hbm>>
      tpu.wait_dma2 semaphore(%arg23 : memref<!tpu.dma_semaphore, #tpu.memory_space<semaphore_mem>>) src(%dma_wait3A_173 : memref<256xi32, #tpu.memory_space<hbm>>) dst(%dma_wait3A_171 : memref<256xi32, #tpu.memory_space<vmem>>)
      %dma_wait3A_174 = arith.constant 3072 : i32
      %dma_wait3A_175 = tpu.memref_slice %arg12[%dma_wait3A_174] : memref<3328xi32, #tpu.memory_space<vmem>> -> memref<256xi32, #tpu.memory_space<vmem>>
      %dma_wait3A_176 = arith.constant 99744 : i32
      %dma_wait3A_177 = tpu.memref_slice %arg3[%dma_wait3A_176] : memref<100000xi32, #tpu.memory_space<hbm>> -> memref<256xi32, #tpu.memory_space<hbm>>
      %dma_wait3A_178 = arith.constant 3072 : i32
      %dma_wait3A_179 = tpu.memref_slice %arg12[%dma_wait3A_178] : memref<3328xi32, #tpu.memory_space<vmem>> -> memref<256xi32, #tpu.memory_space<vmem>>
      %dma_wait3A_180 = arith.constant 99744 : i32
      %dma_wait3A_181 = tpu.memref_slice %arg3[%dma_wait3A_180] : memref<100000xi32, #tpu.memory_space<hbm>> -> memref<256xi32, #tpu.memory_space<hbm>>
      tpu.wait_dma2 semaphore(%arg23 : memref<!tpu.dma_semaphore, #tpu.memory_space<semaphore_mem>>) src(%dma_wait3A_181 : memref<256xi32, #tpu.memory_space<hbm>>) dst(%dma_wait3A_179 : memref<256xi32, #tpu.memory_space<vmem>>)
      %dma_wait3A_182 = arith.constant 3072 : i32
      %dma_wait3A_183 = tpu.memref_slice %arg13[%dma_wait3A_182] : memref<3328xi32, #tpu.memory_space<vmem>> -> memref<256xi32, #tpu.memory_space<vmem>>
      %dma_wait3A_184 = arith.constant 99744 : i32
      %dma_wait3A_185 = tpu.memref_slice %arg4[%dma_wait3A_184] : memref<100000xi32, #tpu.memory_space<hbm>> -> memref<256xi32, #tpu.memory_space<hbm>>
      %dma_wait3A_186 = arith.constant 3072 : i32
      %dma_wait3A_187 = tpu.memref_slice %arg13[%dma_wait3A_186] : memref<3328xi32, #tpu.memory_space<vmem>> -> memref<256xi32, #tpu.memory_space<vmem>>
      %dma_wait3A_188 = arith.constant 99744 : i32
      %dma_wait3A_189 = tpu.memref_slice %arg4[%dma_wait3A_188] : memref<100000xi32, #tpu.memory_space<hbm>> -> memref<256xi32, #tpu.memory_space<hbm>>
      tpu.wait_dma2 semaphore(%arg23 : memref<!tpu.dma_semaphore, #tpu.memory_space<semaphore_mem>>) src(%dma_wait3A_189 : memref<256xi32, #tpu.memory_space<hbm>>) dst(%dma_wait3A_187 : memref<256xi32, #tpu.memory_space<vmem>>)
      %dma_wait3A_190 = arith.constant 3072 : i32
      %dma_wait3A_191 = tpu.memref_slice %arg14[%dma_wait3A_190] : memref<3328xi32, #tpu.memory_space<vmem>> -> memref<256xi32, #tpu.memory_space<vmem>>
      %dma_wait3A_192 = arith.constant 99744 : i32
      %dma_wait3A_193 = tpu.memref_slice %arg5[%dma_wait3A_192] : memref<100000xi32, #tpu.memory_space<hbm>> -> memref<256xi32, #tpu.memory_space<hbm>>
      %dma_wait3A_194 = arith.constant 3072 : i32
      %dma_wait3A_195 = tpu.memref_slice %arg14[%dma_wait3A_194] : memref<3328xi32, #tpu.memory_space<vmem>> -> memref<256xi32, #tpu.memory_space<vmem>>
      %dma_wait3A_196 = arith.constant 99744 : i32
      %dma_wait3A_197 = tpu.memref_slice %arg5[%dma_wait3A_196] : memref<100000xi32, #tpu.memory_space<hbm>> -> memref<256xi32, #tpu.memory_space<hbm>>
      tpu.wait_dma2 semaphore(%arg23 : memref<!tpu.dma_semaphore, #tpu.memory_space<semaphore_mem>>) src(%dma_wait3A_197 : memref<256xi32, #tpu.memory_space<hbm>>) dst(%dma_wait3A_195 : memref<256xi32, #tpu.memory_space<vmem>>)
    } else {
    }
    %dma_start3A = arith.constant 0 : i32
    %dma_start3A_20 = arith.constant 0 : i32
    %dma_start3A_21 = tpu.memref_slice %arg15[%dma_start3A, %dma_start3A_20] : memref<256x16xf32, #tpu.memory_space<vmem>> -> memref<128x16xf32, #tpu.memory_space<vmem>>
    %dma_start3A_22 = arith.constant 0 : i32
    %dma_start3A_23 = tpu.memref_slice %arg11[%dma_start3A_22] : memref<3328xi32, #tpu.memory_space<vmem>> -> memref<128xi32, #tpu.memory_space<vmem>>
    %dma_start3A_24 = arith.constant 0 : i32
    %dma_start3A_25 = arith.constant 0 : i32
    %dma_start3A_26 = tpu.memref_slice %arg6[%dma_start3A_24, %dma_start3A_25] : memref<128x16xf32, #tpu.memory_space<hbm>> -> memref<128x16xf32, #tpu.memory_space<hbm>>
    tpu.enqueue_indirect_dma source(%dma_start3A_26 : memref<128x16xf32, #tpu.memory_space<hbm>>) target(%dma_start3A_21 : memref<128x16xf32, #tpu.memory_space<vmem>>) offsets(%dma_start3A_23 : memref<128xi32, #tpu.memory_space<vmem>>) semaphore(%arg23 : memref<!tpu.dma_semaphore, #tpu.memory_space<semaphore_mem>>)
    %dma_start3A_27 = arith.constant 128 : i32
    %dma_start3A_28 = arith.constant 0 : i32
    %dma_start3A_29 = tpu.memref_slice %arg15[%dma_start3A_27, %dma_start3A_28] : memref<256x16xf32, #tpu.memory_space<vmem>> -> memref<128x16xf32, #tpu.memory_space<vmem>>
    %dma_start3A_30 = arith.constant 128 : i32
    %dma_start3A_31 = tpu.memref_slice %arg11[%dma_start3A_30] : memref<3328xi32, #tpu.memory_space<vmem>> -> memref<128xi32, #tpu.memory_space<vmem>>
    %dma_start3A_32 = arith.constant 0 : i32
    %dma_start3A_33 = arith.constant 0 : i32
    %dma_start3A_34 = tpu.memref_slice %arg6[%dma_start3A_32, %dma_start3A_33] : memref<128x16xf32, #tpu.memory_space<hbm>> -> memref<128x16xf32, #tpu.memory_space<hbm>>
    tpu.enqueue_indirect_dma source(%dma_start3A_34 : memref<128x16xf32, #tpu.memory_space<hbm>>) target(%dma_start3A_29 : memref<128x16xf32, #tpu.memory_space<vmem>>) offsets(%dma_start3A_31 : memref<128xi32, #tpu.memory_space<vmem>>) semaphore(%arg23 : memref<!tpu.dma_semaphore, #tpu.memory_space<semaphore_mem>>)
    %dma_start3A_35 = arith.constant 0 : i32
    %dma_start3A_36 = arith.constant 0 : i32
    %dma_start3A_37 = tpu.memref_slice %arg16[%dma_start3A_35, %dma_start3A_36] : memref<256x32xf32, #tpu.memory_space<vmem>> -> memref<128x32xf32, #tpu.memory_space<vmem>>
    %dma_start3A_38 = arith.constant 0 : i32
    %dma_start3A_39 = tpu.memref_slice %arg12[%dma_start3A_38] : memref<3328xi32, #tpu.memory_space<vmem>> -> memref<128xi32, #tpu.memory_space<vmem>>
    %dma_start3A_40 = arith.constant 0 : i32
    %dma_start3A_41 = arith.constant 0 : i32
    %dma_start3A_42 = tpu.memref_slice %arg7[%dma_start3A_40, %dma_start3A_41] : memref<1024x32xf32, #tpu.memory_space<hbm>> -> memref<1024x32xf32, #tpu.memory_space<hbm>>
    tpu.enqueue_indirect_dma source(%dma_start3A_42 : memref<1024x32xf32, #tpu.memory_space<hbm>>) target(%dma_start3A_37 : memref<128x32xf32, #tpu.memory_space<vmem>>) offsets(%dma_start3A_39 : memref<128xi32, #tpu.memory_space<vmem>>) semaphore(%arg23 : memref<!tpu.dma_semaphore, #tpu.memory_space<semaphore_mem>>)
    %dma_start3A_43 = arith.constant 128 : i32
    %dma_start3A_44 = arith.constant 0 : i32
    %dma_start3A_45 = tpu.memref_slice %arg16[%dma_start3A_43, %dma_start3A_44] : memref<256x32xf32, #tpu.memory_space<vmem>> -> memref<128x32xf32, #tpu.memory_space<vmem>>
    %dma_start3A_46 = arith.constant 128 : i32
    %dma_start3A_47 = tpu.memref_slice %arg12[%dma_start3A_46] : memref<3328xi32, #tpu.memory_space<vmem>> -> memref<128xi32, #tpu.memory_space<vmem>>
    %dma_start3A_48 = arith.constant 0 : i32
    %dma_start3A_49 = arith.constant 0 : i32
    %dma_start3A_50 = tpu.memref_slice %arg7[%dma_start3A_48, %dma_start3A_49] : memref<1024x32xf32, #tpu.memory_space<hbm>> -> memref<1024x32xf32, #tpu.memory_space<hbm>>
    tpu.enqueue_indirect_dma source(%dma_start3A_50 : memref<1024x32xf32, #tpu.memory_space<hbm>>) target(%dma_start3A_45 : memref<128x32xf32, #tpu.memory_space<vmem>>) offsets(%dma_start3A_47 : memref<128xi32, #tpu.memory_space<vmem>>) semaphore(%arg23 : memref<!tpu.dma_semaphore, #tpu.memory_space<semaphore_mem>>)
    %dma_start3A_51 = arith.constant 0 : i32
    %dma_start3A_52 = arith.constant 0 : i32
    %dma_start3A_53 = tpu.memref_slice %arg17[%dma_start3A_51, %dma_start3A_52] : memref<256x32xf32, #tpu.memory_space<vmem>> -> memref<128x32xf32, #tpu.memory_space<vmem>>
    %dma_start3A_54 = arith.constant 0 : i32
    %dma_start3A_55 = tpu.memref_slice %arg13[%dma_start3A_54] : memref<3328xi32, #tpu.memory_space<vmem>> -> memref<128xi32, #tpu.memory_space<vmem>>
    %dma_start3A_56 = arith.constant 0 : i32
    %dma_start3A_57 = arith.constant 0 : i32
    %dma_start3A_58 = tpu.memref_slice %arg8[%dma_start3A_56, %dma_start3A_57] : memref<16384x32xf32, #tpu.memory_space<hbm>> -> memref<16384x32xf32, #tpu.memory_space<hbm>>
    tpu.enqueue_indirect_dma source(%dma_start3A_58 : memref<16384x32xf32, #tpu.memory_space<hbm>>) target(%dma_start3A_53 : memref<128x32xf32, #tpu.memory_space<vmem>>) offsets(%dma_start3A_55 : memref<128xi32, #tpu.memory_space<vmem>>) semaphore(%arg23 : memref<!tpu.dma_semaphore, #tpu.memory_space<semaphore_mem>>)
    %dma_start3A_59 = arith.constant 128 : i32
    %dma_start3A_60 = arith.constant 0 : i32
    %dma_start3A_61 = tpu.memref_slice %arg17[%dma_start3A_59, %dma_start3A_60] : memref<256x32xf32, #tpu.memory_space<vmem>> -> memref<128x32xf32, #tpu.memory_space<vmem>>
    %dma_start3A_62 = arith.constant 128 : i32
    %dma_start3A_63 = tpu.memref_slice %arg13[%dma_start3A_62] : memref<3328xi32, #tpu.memory_space<vmem>> -> memref<128xi32, #tpu.memory_space<vmem>>
    %dma_start3A_64 = arith.constant 0 : i32
    %dma_start3A_65 = arith.constant 0 : i32
    %dma_start3A_66 = tpu.memref_slice %arg8[%dma_start3A_64, %dma_start3A_65] : memref<16384x32xf32, #tpu.memory_space<hbm>> -> memref<16384x32xf32, #tpu.memory_space<hbm>>
    tpu.enqueue_indirect_dma source(%dma_start3A_66 : memref<16384x32xf32, #tpu.memory_space<hbm>>) target(%dma_start3A_61 : memref<128x32xf32, #tpu.memory_space<vmem>>) offsets(%dma_start3A_63 : memref<128xi32, #tpu.memory_space<vmem>>) semaphore(%arg23 : memref<!tpu.dma_semaphore, #tpu.memory_space<semaphore_mem>>)
    %dma_start3A_67 = arith.constant 0 : i32
    %dma_start3A_68 = arith.constant 0 : i32
    %dma_start3A_69 = tpu.memref_slice %arg18[%dma_start3A_67, %dma_start3A_68] : memref<256x48xf32, #tpu.memory_space<vmem>> -> memref<128x48xf32, #tpu.memory_space<vmem>>
    %dma_start3A_70 = arith.constant 0 : i32
    %dma_start3A_71 = tpu.memref_slice %arg14[%dma_start3A_70] : memref<3328xi32, #tpu.memory_space<vmem>> -> memref<128xi32, #tpu.memory_space<vmem>>
    %dma_start3A_72 = arith.constant 0 : i32
    %dma_start3A_73 = arith.constant 0 : i32
    %dma_start3A_74 = tpu.memref_slice %arg9[%dma_start3A_72, %dma_start3A_73] : memref<100000x48xf32, #tpu.memory_space<hbm>> -> memref<100000x48xf32, #tpu.memory_space<hbm>>
    tpu.enqueue_indirect_dma source(%dma_start3A_74 : memref<100000x48xf32, #tpu.memory_space<hbm>>) target(%dma_start3A_69 : memref<128x48xf32, #tpu.memory_space<vmem>>) offsets(%dma_start3A_71 : memref<128xi32, #tpu.memory_space<vmem>>) semaphore(%arg23 : memref<!tpu.dma_semaphore, #tpu.memory_space<semaphore_mem>>)
    %dma_start3A_75 = arith.constant 128 : i32
    %dma_start3A_76 = arith.constant 0 : i32
    %dma_start3A_77 = tpu.memref_slice %arg18[%dma_start3A_75, %dma_start3A_76] : memref<256x48xf32, #tpu.memory_space<vmem>> -> memref<128x48xf32, #tpu.memory_space<vmem>>
    %dma_start3A_78 = arith.constant 128 : i32
    %dma_start3A_79 = tpu.memref_slice %arg14[%dma_start3A_78] : memref<3328xi32, #tpu.memory_space<vmem>> -> memref<128xi32, #tpu.memory_space<vmem>>
    %dma_start3A_80 = arith.constant 0 : i32
    %dma_start3A_81 = arith.constant 0 : i32
    %dma_start3A_82 = tpu.memref_slice %arg9[%dma_start3A_80, %dma_start3A_81] : memref<100000x48xf32, #tpu.memory_space<hbm>> -> memref<100000x48xf32, #tpu.memory_space<hbm>>
    tpu.enqueue_indirect_dma source(%dma_start3A_82 : memref<100000x48xf32, #tpu.memory_space<hbm>>) target(%dma_start3A_77 : memref<128x48xf32, #tpu.memory_space<vmem>>) offsets(%dma_start3A_79 : memref<128xi32, #tpu.memory_space<vmem>>) semaphore(%arg23 : memref<!tpu.dma_semaphore, #tpu.memory_space<semaphore_mem>>)
    %scan3A = arith.constant 0 : i32
    %scan3A_83 = arith.constant 0 : i32
    %scan3A_84 = arith.constant 7 : i32
    %scan3A_85 = arith.addi %scan3A_83, %scan3A_84 : i32
    %scan3A_86 = arith.constant 1 : i32
    scf.for %scan3A_135 = %scan3A_83 to %scan3A_85 step %scan3A_86  : i32 {
      %mul3A_136 = arith.constant 2 : i32
      %mul3A_137 = arith.muli %mul3A_136, %scan3A_135 : i32
      %add3A_138 = arith.constant 0 : i32
      %add3A_139 = arith.addi %mul3A_137, %add3A_138 : i32
      %lt3A_140 = arith.cmpi slt, %add3A_139, %select_n3A : i32
      %convert_element_type3A_141 = arith.extui %lt3A_140 : i1 to i32
      %cond3A_142 = arith.constant 0 : i32
      %cond3A_143 = arith.cmpi ne, %convert_element_type3A_141, %cond3A_142 : i32
      scf.if %cond3A_143 {
        %add3A_152 = arith.addi %add3A_4, %add3A_139 : i32
        %mul3A_153 = arith.constant 256 : i32
        %mul3A_154 = arith.muli %add3A_152, %mul3A_153 : i32
        %multiple_of3A_155 = tpu.assume_multiple %mul3A_154, 256 : i32
        %mul3A_156 = arith.constant 2 : i32
        %mul3A_157 = arith.muli %add3A_139, %mul3A_156 : i32
        %add3A_158 = arith.constant 0 : i32
        %add3A_159 = arith.addi %mul3A_157, %add3A_158 : i32
        %mul3A_160 = arith.constant 128 : i32
        %mul3A_161 = arith.muli %add3A_159, %mul3A_160 : i32
        %dma_wait3A = arith.constant 0 : i32
        %dma_wait3A_162 = arith.constant 0 : i32
        %dma_wait3A_163 = tpu.memref_slice %arg15[%dma_wait3A, %dma_wait3A_162] : memref<256x16xf32, #tpu.memory_space<vmem>> -> memref<128x16xf32, #tpu.memory_space<vmem>>
        %dma_wait3A_164 = tpu.memref_slice %arg11[%mul3A_161] : memref<3328xi32, #tpu.memory_space<vmem>> -> memref<128xi32, #tpu.memory_space<vmem>>
        %dma_wait3A_165 = arith.constant 0 : i32
        %dma_wait3A_166 = arith.constant 0 : i32
        %dma_wait3A_167 = tpu.memref_slice %arg6[%dma_wait3A_165, %dma_wait3A_166] : memref<128x16xf32, #tpu.memory_space<hbm>> -> memref<128x16xf32, #tpu.memory_space<hbm>>
        tpu.wait_indirect_dma semaphore(%arg23 : memref<!tpu.dma_semaphore, #tpu.memory_space<semaphore_mem>>) src(%dma_wait3A_167 : memref<128x16xf32, #tpu.memory_space<hbm>>) dst(%dma_wait3A_163 : memref<128x16xf32, #tpu.memory_space<vmem>>)
        %mul3A_168 = arith.constant 2 : i32
        %mul3A_169 = arith.muli %add3A_139, %mul3A_168 : i32
        %add3A_170 = arith.constant 1 : i32
        %add3A_171 = arith.addi %mul3A_169, %add3A_170 : i32
        %mul3A_172 = arith.constant 128 : i32
        %mul3A_173 = arith.muli %add3A_171, %mul3A_172 : i32
        %dma_wait3A_174 = arith.constant 128 : i32
        %dma_wait3A_175 = arith.constant 0 : i32
        %dma_wait3A_176 = tpu.memref_slice %arg15[%dma_wait3A_174, %dma_wait3A_175] : memref<256x16xf32, #tpu.memory_space<vmem>> -> memref<128x16xf32, #tpu.memory_space<vmem>>
        %dma_wait3A_177 = tpu.memref_slice %arg11[%mul3A_173] : memref<3328xi32, #tpu.memory_space<vmem>> -> memref<128xi32, #tpu.memory_space<vmem>>
        %dma_wait3A_178 = arith.constant 0 : i32
        %dma_wait3A_179 = arith.constant 0 : i32
        %dma_wait3A_180 = tpu.memref_slice %arg6[%dma_wait3A_178, %dma_wait3A_179] : memref<128x16xf32, #tpu.memory_space<hbm>> -> memref<128x16xf32, #tpu.memory_space<hbm>>
        tpu.wait_indirect_dma semaphore(%arg23 : memref<!tpu.dma_semaphore, #tpu.memory_space<semaphore_mem>>) src(%dma_wait3A_180 : memref<128x16xf32, #tpu.memory_space<hbm>>) dst(%dma_wait3A_176 : memref<128x16xf32, #tpu.memory_space<vmem>>)
        %mul3A_181 = arith.constant 2 : i32
        %mul3A_182 = arith.muli %add3A_139, %mul3A_181 : i32
        %add3A_183 = arith.constant 0 : i32
        %add3A_184 = arith.addi %mul3A_182, %add3A_183 : i32
        %mul3A_185 = arith.constant 128 : i32
        %mul3A_186 = arith.muli %add3A_184, %mul3A_185 : i32
        %dma_wait3A_187 = arith.constant 0 : i32
        %dma_wait3A_188 = arith.constant 0 : i32
        %dma_wait3A_189 = tpu.memref_slice %arg16[%dma_wait3A_187, %dma_wait3A_188] : memref<256x32xf32, #tpu.memory_space<vmem>> -> memref<128x32xf32, #tpu.memory_space<vmem>>
        %dma_wait3A_190 = tpu.memref_slice %arg12[%mul3A_186] : memref<3328xi32, #tpu.memory_space<vmem>> -> memref<128xi32, #tpu.memory_space<vmem>>
        %dma_wait3A_191 = arith.constant 0 : i32
        %dma_wait3A_192 = arith.constant 0 : i32
        %dma_wait3A_193 = tpu.memref_slice %arg7[%dma_wait3A_191, %dma_wait3A_192] : memref<1024x32xf32, #tpu.memory_space<hbm>> -> memref<1024x32xf32, #tpu.memory_space<hbm>>
        tpu.wait_indirect_dma semaphore(%arg23 : memref<!tpu.dma_semaphore, #tpu.memory_space<semaphore_mem>>) src(%dma_wait3A_193 : memref<1024x32xf32, #tpu.memory_space<hbm>>) dst(%dma_wait3A_189 : memref<128x32xf32, #tpu.memory_space<vmem>>)
        %mul3A_194 = arith.constant 2 : i32
        %mul3A_195 = arith.muli %add3A_139, %mul3A_194 : i32
        %add3A_196 = arith.constant 1 : i32
        %add3A_197 = arith.addi %mul3A_195, %add3A_196 : i32
        %mul3A_198 = arith.constant 128 : i32
        %mul3A_199 = arith.muli %add3A_197, %mul3A_198 : i32
        %dma_wait3A_200 = arith.constant 128 : i32
        %dma_wait3A_201 = arith.constant 0 : i32
        %dma_wait3A_202 = tpu.memref_slice %arg16[%dma_wait3A_200, %dma_wait3A_201] : memref<256x32xf32, #tpu.memory_space<vmem>> -> memref<128x32xf32, #tpu.memory_space<vmem>>
        %dma_wait3A_203 = tpu.memref_slice %arg12[%mul3A_199] : memref<3328xi32, #tpu.memory_space<vmem>> -> memref<128xi32, #tpu.memory_space<vmem>>
        %dma_wait3A_204 = arith.constant 0 : i32
        %dma_wait3A_205 = arith.constant 0 : i32
        %dma_wait3A_206 = tpu.memref_slice %arg7[%dma_wait3A_204, %dma_wait3A_205] : memref<1024x32xf32, #tpu.memory_space<hbm>> -> memref<1024x32xf32, #tpu.memory_space<hbm>>
        tpu.wait_indirect_dma semaphore(%arg23 : memref<!tpu.dma_semaphore, #tpu.memory_space<semaphore_mem>>) src(%dma_wait3A_206 : memref<1024x32xf32, #tpu.memory_space<hbm>>) dst(%dma_wait3A_202 : memref<128x32xf32, #tpu.memory_space<vmem>>)
        %mul3A_207 = arith.constant 2 : i32
        %mul3A_208 = arith.muli %add3A_139, %mul3A_207 : i32
        %add3A_209 = arith.constant 0 : i32
        %add3A_210 = arith.addi %mul3A_208, %add3A_209 : i32
        %mul3A_211 = arith.constant 128 : i32
        %mul3A_212 = arith.muli %add3A_210, %mul3A_211 : i32
        %dma_wait3A_213 = arith.constant 0 : i32
        %dma_wait3A_214 = arith.constant 0 : i32
        %dma_wait3A_215 = tpu.memref_slice %arg17[%dma_wait3A_213, %dma_wait3A_214] : memref<256x32xf32, #tpu.memory_space<vmem>> -> memref<128x32xf32, #tpu.memory_space<vmem>>
        %dma_wait3A_216 = tpu.memref_slice %arg13[%mul3A_212] : memref<3328xi32, #tpu.memory_space<vmem>> -> memref<128xi32, #tpu.memory_space<vmem>>
        %dma_wait3A_217 = arith.constant 0 : i32
        %dma_wait3A_218 = arith.constant 0 : i32
        %dma_wait3A_219 = tpu.memref_slice %arg8[%dma_wait3A_217, %dma_wait3A_218] : memref<16384x32xf32, #tpu.memory_space<hbm>> -> memref<16384x32xf32, #tpu.memory_space<hbm>>
        tpu.wait_indirect_dma semaphore(%arg23 : memref<!tpu.dma_semaphore, #tpu.memory_space<semaphore_mem>>) src(%dma_wait3A_219 : memref<16384x32xf32, #tpu.memory_space<hbm>>) dst(%dma_wait3A_215 : memref<128x32xf32, #tpu.memory_space<vmem>>)
        %mul3A_220 = arith.constant 2 : i32
        %mul3A_221 = arith.muli %add3A_139, %mul3A_220 : i32
        %add3A_222 = arith.constant 1 : i32
        %add3A_223 = arith.addi %mul3A_221, %add3A_222 : i32
        %mul3A_224 = arith.constant 128 : i32
        %mul3A_225 = arith.muli %add3A_223, %mul3A_224 : i32
        %dma_wait3A_226 = arith.constant 128 : i32
        %dma_wait3A_227 = arith.constant 0 : i32
        %dma_wait3A_228 = tpu.memref_slice %arg17[%dma_wait3A_226, %dma_wait3A_227] : memref<256x32xf32, #tpu.memory_space<vmem>> -> memref<128x32xf32, #tpu.memory_space<vmem>>
        %dma_wait3A_229 = tpu.memref_slice %arg13[%mul3A_225] : memref<3328xi32, #tpu.memory_space<vmem>> -> memref<128xi32, #tpu.memory_space<vmem>>
        %dma_wait3A_230 = arith.constant 0 : i32
        %dma_wait3A_231 = arith.constant 0 : i32
        %dma_wait3A_232 = tpu.memref_slice %arg8[%dma_wait3A_230, %dma_wait3A_231] : memref<16384x32xf32, #tpu.memory_space<hbm>> -> memref<16384x32xf32, #tpu.memory_space<hbm>>
        tpu.wait_indirect_dma semaphore(%arg23 : memref<!tpu.dma_semaphore, #tpu.memory_space<semaphore_mem>>) src(%dma_wait3A_232 : memref<16384x32xf32, #tpu.memory_space<hbm>>) dst(%dma_wait3A_228 : memref<128x32xf32, #tpu.memory_space<vmem>>)
        %mul3A_233 = arith.constant 2 : i32
        %mul3A_234 = arith.muli %add3A_139, %mul3A_233 : i32
        %add3A_235 = arith.constant 0 : i32
        %add3A_236 = arith.addi %mul3A_234, %add3A_235 : i32
        %mul3A_237 = arith.constant 128 : i32
        %mul3A_238 = arith.muli %add3A_236, %mul3A_237 : i32
        %dma_wait3A_239 = arith.constant 0 : i32
        %dma_wait3A_240 = arith.constant 0 : i32
        %dma_wait3A_241 = tpu.memref_slice %arg18[%dma_wait3A_239, %dma_wait3A_240] : memref<256x48xf32, #tpu.memory_space<vmem>> -> memref<128x48xf32, #tpu.memory_space<vmem>>
        %dma_wait3A_242 = tpu.memref_slice %arg14[%mul3A_238] : memref<3328xi32, #tpu.memory_space<vmem>> -> memref<128xi32, #tpu.memory_space<vmem>>
        %dma_wait3A_243 = arith.constant 0 : i32
        %dma_wait3A_244 = arith.constant 0 : i32
        %dma_wait3A_245 = tpu.memref_slice %arg9[%dma_wait3A_243, %dma_wait3A_244] : memref<100000x48xf32, #tpu.memory_space<hbm>> -> memref<100000x48xf32, #tpu.memory_space<hbm>>
        tpu.wait_indirect_dma semaphore(%arg23 : memref<!tpu.dma_semaphore, #tpu.memory_space<semaphore_mem>>) src(%dma_wait3A_245 : memref<100000x48xf32, #tpu.memory_space<hbm>>) dst(%dma_wait3A_241 : memref<128x48xf32, #tpu.memory_space<vmem>>)
        %mul3A_246 = arith.constant 2 : i32
        %mul3A_247 = arith.muli %add3A_139, %mul3A_246 : i32
        %add3A_248 = arith.constant 1 : i32
        %add3A_249 = arith.addi %mul3A_247, %add3A_248 : i32
        %mul3A_250 = arith.constant 128 : i32
        %mul3A_251 = arith.muli %add3A_249, %mul3A_250 : i32
        %dma_wait3A_252 = arith.constant 128 : i32
        %dma_wait3A_253 = arith.constant 0 : i32
        %dma_wait3A_254 = tpu.memref_slice %arg18[%dma_wait3A_252, %dma_wait3A_253] : memref<256x48xf32, #tpu.memory_space<vmem>> -> memref<128x48xf32, #tpu.memory_space<vmem>>
        %dma_wait3A_255 = tpu.memref_slice %arg14[%mul3A_251] : memref<3328xi32, #tpu.memory_space<vmem>> -> memref<128xi32, #tpu.memory_space<vmem>>
        %dma_wait3A_256 = arith.constant 0 : i32
        %dma_wait3A_257 = arith.constant 0 : i32
        %dma_wait3A_258 = tpu.memref_slice %arg9[%dma_wait3A_256, %dma_wait3A_257] : memref<100000x48xf32, #tpu.memory_space<hbm>> -> memref<100000x48xf32, #tpu.memory_space<hbm>>
        tpu.wait_indirect_dma semaphore(%arg23 : memref<!tpu.dma_semaphore, #tpu.memory_space<semaphore_mem>>) src(%dma_wait3A_258 : memref<100000x48xf32, #tpu.memory_space<hbm>>) dst(%dma_wait3A_254 : memref<128x48xf32, #tpu.memory_space<vmem>>)
        %dma_start3A_259 = arith.constant 0 : i32
        %dma_start3A_260 = tpu.memref_slice %arg10[%multiple_of3A_155, %dma_start3A_259] : memref<100000x128xf32, #tpu.memory_space<hbm>> -> memref<256x16xf32, #tpu.memory_space<hbm>>
        %dma_start3A_261 = arith.constant 0 : i32
        %dma_start3A_262 = tpu.memref_slice %arg10[%multiple_of3A_155, %dma_start3A_261] : memref<100000x128xf32, #tpu.memory_space<hbm>> -> memref<256x16xf32, #tpu.memory_space<hbm>>
        tpu.enqueue_dma source(%arg15 : memref<256x16xf32, #tpu.memory_space<vmem>>) target(%dma_start3A_262 : memref<256x16xf32, #tpu.memory_space<hbm>>) target_semaphore(%arg24 : memref<!tpu.dma_semaphore, #tpu.memory_space<semaphore_mem>>)
        %dma_start3A_263 = arith.constant 16 : i32
        %dma_start3A_264 = tpu.memref_slice %arg10[%multiple_of3A_155, %dma_start3A_263] : memref<100000x128xf32, #tpu.memory_space<hbm>> -> memref<256x32xf32, #tpu.memory_space<hbm>>
        %dma_start3A_265 = arith.constant 16 : i32
        %dma_start3A_266 = tpu.memref_slice %arg10[%multiple_of3A_155, %dma_start3A_265] : memref<100000x128xf32, #tpu.memory_space<hbm>> -> memref<256x32xf32, #tpu.memory_space<hbm>>
        tpu.enqueue_dma source(%arg16 : memref<256x32xf32, #tpu.memory_space<vmem>>) target(%dma_start3A_266 : memref<256x32xf32, #tpu.memory_space<hbm>>) target_semaphore(%arg24 : memref<!tpu.dma_semaphore, #tpu.memory_space<semaphore_mem>>)
        %dma_start3A_267 = arith.constant 48 : i32
        %dma_start3A_268 = tpu.memref_slice %arg10[%multiple_of3A_155, %dma_start3A_267] : memref<100000x128xf32, #tpu.memory_space<hbm>> -> memref<256x32xf32, #tpu.memory_space<hbm>>
        %dma_start3A_269 = arith.constant 48 : i32
        %dma_start3A_270 = tpu.memref_slice %arg10[%multiple_of3A_155, %dma_start3A_269] : memref<100000x128xf32, #tpu.memory_space<hbm>> -> memref<256x32xf32, #tpu.memory_space<hbm>>
        tpu.enqueue_dma source(%arg17 : memref<256x32xf32, #tpu.memory_space<vmem>>) target(%dma_start3A_270 : memref<256x32xf32, #tpu.memory_space<hbm>>) target_semaphore(%arg24 : memref<!tpu.dma_semaphore, #tpu.memory_space<semaphore_mem>>)
        %dma_start3A_271 = arith.constant 80 : i32
        %dma_start3A_272 = tpu.memref_slice %arg10[%multiple_of3A_155, %dma_start3A_271] : memref<100000x128xf32, #tpu.memory_space<hbm>> -> memref<256x48xf32, #tpu.memory_space<hbm>>
        %dma_start3A_273 = arith.constant 80 : i32
        %dma_start3A_274 = tpu.memref_slice %arg10[%multiple_of3A_155, %dma_start3A_273] : memref<100000x128xf32, #tpu.memory_space<hbm>> -> memref<256x48xf32, #tpu.memory_space<hbm>>
        tpu.enqueue_dma source(%arg18 : memref<256x48xf32, #tpu.memory_space<vmem>>) target(%dma_start3A_274 : memref<256x48xf32, #tpu.memory_space<hbm>>) target_semaphore(%arg24 : memref<!tpu.dma_semaphore, #tpu.memory_space<semaphore_mem>>)
        %ge3A_275 = arith.constant 1 : i32
        %ge3A_276 = arith.cmpi sge, %add3A_139, %ge3A_275 : i32
        %convert_element_type3A_277 = arith.extui %ge3A_276 : i1 to i32
        %cond3A_278 = arith.constant 0 : i32
        %cond3A_279 = arith.cmpi ne, %convert_element_type3A_277, %cond3A_278 : i32
        scf.if %cond3A_279 {
          %dma_wait3A_286 = arith.constant 0 : i32
          %dma_wait3A_287 = tpu.memref_slice %arg10[%multiple_of3A_155, %dma_wait3A_286] : memref<100000x128xf32, #tpu.memory_space<hbm>> -> memref<256x16xf32, #tpu.memory_space<hbm>>
          %dma_wait3A_288 = arith.constant 0 : i32
          %dma_wait3A_289 = tpu.memref_slice %arg10[%multiple_of3A_155, %dma_wait3A_288] : memref<100000x128xf32, #tpu.memory_space<hbm>> -> memref<256x16xf32, #tpu.memory_space<hbm>>
          tpu.wait_dma2 semaphore(%arg25 : memref<!tpu.dma_semaphore, #tpu.memory_space<semaphore_mem>>) src(%arg19 : memref<256x16xf32, #tpu.memory_space<vmem>>) dst(%dma_wait3A_289 : memref<256x16xf32, #tpu.memory_space<hbm>>)
          %dma_wait3A_290 = arith.constant 16 : i32
          %dma_wait3A_291 = tpu.memref_slice %arg10[%multiple_of3A_155, %dma_wait3A_290] : memref<100000x128xf32, #tpu.memory_space<hbm>> -> memref<256x32xf32, #tpu.memory_space<hbm>>
          %dma_wait3A_292 = arith.constant 16 : i32
          %dma_wait3A_293 = tpu.memref_slice %arg10[%multiple_of3A_155, %dma_wait3A_292] : memref<100000x128xf32, #tpu.memory_space<hbm>> -> memref<256x32xf32, #tpu.memory_space<hbm>>
          tpu.wait_dma2 semaphore(%arg25 : memref<!tpu.dma_semaphore, #tpu.memory_space<semaphore_mem>>) src(%arg20 : memref<256x32xf32, #tpu.memory_space<vmem>>) dst(%dma_wait3A_293 : memref<256x32xf32, #tpu.memory_space<hbm>>)
          %dma_wait3A_294 = arith.constant 48 : i32
          %dma_wait3A_295 = tpu.memref_slice %arg10[%multiple_of3A_155, %dma_wait3A_294] : memref<100000x128xf32, #tpu.memory_space<hbm>> -> memref<256x32xf32, #tpu.memory_space<hbm>>
          %dma_wait3A_296 = arith.constant 48 : i32
          %dma_wait3A_297 = tpu.memref_slice %arg10[%multiple_of3A_155, %dma_wait3A_296] : memref<100000x128xf32, #tpu.memory_space<hbm>> -> memref<256x32xf32, #tpu.memory_space<hbm>>
          tpu.wait_dma2 semaphore(%arg25 : memref<!tpu.dma_semaphore, #tpu.memory_space<semaphore_mem>>) src(%arg21 : memref<256x32xf32, #tpu.memory_space<vmem>>) dst(%dma_wait3A_297 : memref<256x32xf32, #tpu.memory_space<hbm>>)
          %dma_wait3A_298 = arith.constant 80 : i32
          %dma_wait3A_299 = tpu.memref_slice %arg10[%multiple_of3A_155, %dma_wait3A_298] : memref<100000x128xf32, #tpu.memory_space<hbm>> -> memref<256x48xf32, #tpu.memory_space<hbm>>
          %dma_wait3A_300 = arith.constant 80 : i32
          %dma_wait3A_301 = tpu.memref_slice %arg10[%multiple_of3A_155, %dma_wait3A_300] : memref<100000x128xf32, #tpu.memory_space<hbm>> -> memref<256x48xf32, #tpu.memory_space<hbm>>
          tpu.wait_dma2 semaphore(%arg25 : memref<!tpu.dma_semaphore, #tpu.memory_space<semaphore_mem>>) src(%arg22 : memref<256x48xf32, #tpu.memory_space<vmem>>) dst(%dma_wait3A_301 : memref<256x48xf32, #tpu.memory_space<hbm>>)
        } else {
        }
        %add3A_280 = arith.constant 1 : i32
        %add3A_281 = arith.addi %add3A_139, %add3A_280 : i32
        %lt3A_282 = arith.cmpi slt, %add3A_281, %select_n3A : i32
        %convert_element_type3A_283 = arith.extui %lt3A_282 : i1 to i32
        %cond3A_284 = arith.constant 0 : i32
        %cond3A_285 = arith.cmpi ne, %convert_element_type3A_283, %cond3A_284 : i32
        scf.if %cond3A_285 {
          %add3A_286 = arith.constant 1 : i32
          %add3A_287 = arith.addi %add3A_139, %add3A_286 : i32
          %mul3A_288 = arith.constant 2 : i32
          %mul3A_289 = arith.muli %add3A_287, %mul3A_288 : i32
          %add3A_290 = arith.constant 0 : i32
          %add3A_291 = arith.addi %mul3A_289, %add3A_290 : i32
          %mul3A_292 = arith.constant 128 : i32
          %mul3A_293 = arith.muli %add3A_291, %mul3A_292 : i32
          %dma_start3A_294 = arith.constant 0 : i32
          %dma_start3A_295 = arith.constant 0 : i32
          %dma_start3A_296 = tpu.memref_slice %arg19[%dma_start3A_294, %dma_start3A_295] : memref<256x16xf32, #tpu.memory_space<vmem>> -> memref<128x16xf32, #tpu.memory_space<vmem>>
          %dma_start3A_297 = tpu.memref_slice %arg11[%mul3A_293] : memref<3328xi32, #tpu.memory_space<vmem>> -> memref<128xi32, #tpu.memory_space<vmem>>
          %dma_start3A_298 = arith.constant 0 : i32
          %dma_start3A_299 = arith.constant 0 : i32
          %dma_start3A_300 = tpu.memref_slice %arg6[%dma_start3A_298, %dma_start3A_299] : memref<128x16xf32, #tpu.memory_space<hbm>> -> memref<128x16xf32, #tpu.memory_space<hbm>>
          tpu.enqueue_indirect_dma source(%dma_start3A_300 : memref<128x16xf32, #tpu.memory_space<hbm>>) target(%dma_start3A_296 : memref<128x16xf32, #tpu.memory_space<vmem>>) offsets(%dma_start3A_297 : memref<128xi32, #tpu.memory_space<vmem>>) semaphore(%arg23 : memref<!tpu.dma_semaphore, #tpu.memory_space<semaphore_mem>>)
          %mul3A_301 = arith.constant 2 : i32
          %mul3A_302 = arith.muli %add3A_287, %mul3A_301 : i32
          %add3A_303 = arith.constant 1 : i32
          %add3A_304 = arith.addi %mul3A_302, %add3A_303 : i32
          %mul3A_305 = arith.constant 128 : i32
          %mul3A_306 = arith.muli %add3A_304, %mul3A_305 : i32
          %dma_start3A_307 = arith.constant 128 : i32
          %dma_start3A_308 = arith.constant 0 : i32
          %dma_start3A_309 = tpu.memref_slice %arg19[%dma_start3A_307, %dma_start3A_308] : memref<256x16xf32, #tpu.memory_space<vmem>> -> memref<128x16xf32, #tpu.memory_space<vmem>>
          %dma_start3A_310 = tpu.memref_slice %arg11[%mul3A_306] : memref<3328xi32, #tpu.memory_space<vmem>> -> memref<128xi32, #tpu.memory_space<vmem>>
          %dma_start3A_311 = arith.constant 0 : i32
          %dma_start3A_312 = arith.constant 0 : i32
          %dma_start3A_313 = tpu.memref_slice %arg6[%dma_start3A_311, %dma_start3A_312] : memref<128x16xf32, #tpu.memory_space<hbm>> -> memref<128x16xf32, #tpu.memory_space<hbm>>
          tpu.enqueue_indirect_dma source(%dma_start3A_313 : memref<128x16xf32, #tpu.memory_space<hbm>>) target(%dma_start3A_309 : memref<128x16xf32, #tpu.memory_space<vmem>>) offsets(%dma_start3A_310 : memref<128xi32, #tpu.memory_space<vmem>>) semaphore(%arg23 : memref<!tpu.dma_semaphore, #tpu.memory_space<semaphore_mem>>)
          %mul3A_314 = arith.constant 2 : i32
          %mul3A_315 = arith.muli %add3A_287, %mul3A_314 : i32
          %add3A_316 = arith.constant 0 : i32
          %add3A_317 = arith.addi %mul3A_315, %add3A_316 : i32
          %mul3A_318 = arith.constant 128 : i32
          %mul3A_319 = arith.muli %add3A_317, %mul3A_318 : i32
          %dma_start3A_320 = arith.constant 0 : i32
          %dma_start3A_321 = arith.constant 0 : i32
          %dma_start3A_322 = tpu.memref_slice %arg20[%dma_start3A_320, %dma_start3A_321] : memref<256x32xf32, #tpu.memory_space<vmem>> -> memref<128x32xf32, #tpu.memory_space<vmem>>
          %dma_start3A_323 = tpu.memref_slice %arg12[%mul3A_319] : memref<3328xi32, #tpu.memory_space<vmem>> -> memref<128xi32, #tpu.memory_space<vmem>>
          %dma_start3A_324 = arith.constant 0 : i32
          %dma_start3A_325 = arith.constant 0 : i32
          %dma_start3A_326 = tpu.memref_slice %arg7[%dma_start3A_324, %dma_start3A_325] : memref<1024x32xf32, #tpu.memory_space<hbm>> -> memref<1024x32xf32, #tpu.memory_space<hbm>>
          tpu.enqueue_indirect_dma source(%dma_start3A_326 : memref<1024x32xf32, #tpu.memory_space<hbm>>) target(%dma_start3A_322 : memref<128x32xf32, #tpu.memory_space<vmem>>) offsets(%dma_start3A_323 : memref<128xi32, #tpu.memory_space<vmem>>) semaphore(%arg23 : memref<!tpu.dma_semaphore, #tpu.memory_space<semaphore_mem>>)
          %mul3A_327 = arith.constant 2 : i32
          %mul3A_328 = arith.muli %add3A_287, %mul3A_327 : i32
          %add3A_329 = arith.constant 1 : i32
          %add3A_330 = arith.addi %mul3A_328, %add3A_329 : i32
          %mul3A_331 = arith.constant 128 : i32
          %mul3A_332 = arith.muli %add3A_330, %mul3A_331 : i32
          %dma_start3A_333 = arith.constant 128 : i32
          %dma_start3A_334 = arith.constant 0 : i32
          %dma_start3A_335 = tpu.memref_slice %arg20[%dma_start3A_333, %dma_start3A_334] : memref<256x32xf32, #tpu.memory_space<vmem>> -> memref<128x32xf32, #tpu.memory_space<vmem>>
          %dma_start3A_336 = tpu.memref_slice %arg12[%mul3A_332] : memref<3328xi32, #tpu.memory_space<vmem>> -> memref<128xi32, #tpu.memory_space<vmem>>
          %dma_start3A_337 = arith.constant 0 : i32
          %dma_start3A_338 = arith.constant 0 : i32
          %dma_start3A_339 = tpu.memref_slice %arg7[%dma_start3A_337, %dma_start3A_338] : memref<1024x32xf32, #tpu.memory_space<hbm>> -> memref<1024x32xf32, #tpu.memory_space<hbm>>
          tpu.enqueue_indirect_dma source(%dma_start3A_339 : memref<1024x32xf32, #tpu.memory_space<hbm>>) target(%dma_start3A_335 : memref<128x32xf32, #tpu.memory_space<vmem>>) offsets(%dma_start3A_336 : memref<128xi32, #tpu.memory_space<vmem>>) semaphore(%arg23 : memref<!tpu.dma_semaphore, #tpu.memory_space<semaphore_mem>>)
          %mul3A_340 = arith.constant 2 : i32
          %mul3A_341 = arith.muli %add3A_287, %mul3A_340 : i32
          %add3A_342 = arith.constant 0 : i32
          %add3A_343 = arith.addi %mul3A_341, %add3A_342 : i32
          %mul3A_344 = arith.constant 128 : i32
          %mul3A_345 = arith.muli %add3A_343, %mul3A_344 : i32
          %dma_start3A_346 = arith.constant 0 : i32
          %dma_start3A_347 = arith.constant 0 : i32
          %dma_start3A_348 = tpu.memref_slice %arg21[%dma_start3A_346, %dma_start3A_347] : memref<256x32xf32, #tpu.memory_space<vmem>> -> memref<128x32xf32, #tpu.memory_space<vmem>>
          %dma_start3A_349 = tpu.memref_slice %arg13[%mul3A_345] : memref<3328xi32, #tpu.memory_space<vmem>> -> memref<128xi32, #tpu.memory_space<vmem>>
          %dma_start3A_350 = arith.constant 0 : i32
          %dma_start3A_351 = arith.constant 0 : i32
          %dma_start3A_352 = tpu.memref_slice %arg8[%dma_start3A_350, %dma_start3A_351] : memref<16384x32xf32, #tpu.memory_space<hbm>> -> memref<16384x32xf32, #tpu.memory_space<hbm>>
          tpu.enqueue_indirect_dma source(%dma_start3A_352 : memref<16384x32xf32, #tpu.memory_space<hbm>>) target(%dma_start3A_348 : memref<128x32xf32, #tpu.memory_space<vmem>>) offsets(%dma_start3A_349 : memref<128xi32, #tpu.memory_space<vmem>>) semaphore(%arg23 : memref<!tpu.dma_semaphore, #tpu.memory_space<semaphore_mem>>)
          %mul3A_353 = arith.constant 2 : i32
          %mul3A_354 = arith.muli %add3A_287, %mul3A_353 : i32
          %add3A_355 = arith.constant 1 : i32
          %add3A_356 = arith.addi %mul3A_354, %add3A_355 : i32
          %mul3A_357 = arith.constant 128 : i32
          %mul3A_358 = arith.muli %add3A_356, %mul3A_357 : i32
          %dma_start3A_359 = arith.constant 128 : i32
          %dma_start3A_360 = arith.constant 0 : i32
          %dma_start3A_361 = tpu.memref_slice %arg21[%dma_start3A_359, %dma_start3A_360] : memref<256x32xf32, #tpu.memory_space<vmem>> -> memref<128x32xf32, #tpu.memory_space<vmem>>
          %dma_start3A_362 = tpu.memref_slice %arg13[%mul3A_358] : memref<3328xi32, #tpu.memory_space<vmem>> -> memref<128xi32, #tpu.memory_space<vmem>>
          %dma_start3A_363 = arith.constant 0 : i32
          %dma_start3A_364 = arith.constant 0 : i32
          %dma_start3A_365 = tpu.memref_slice %arg8[%dma_start3A_363, %dma_start3A_364] : memref<16384x32xf32, #tpu.memory_space<hbm>> -> memref<16384x32xf32, #tpu.memory_space<hbm>>
          tpu.enqueue_indirect_dma source(%dma_start3A_365 : memref<16384x32xf32, #tpu.memory_space<hbm>>) target(%dma_start3A_361 : memref<128x32xf32, #tpu.memory_space<vmem>>) offsets(%dma_start3A_362 : memref<128xi32, #tpu.memory_space<vmem>>) semaphore(%arg23 : memref<!tpu.dma_semaphore, #tpu.memory_space<semaphore_mem>>)
          %mul3A_366 = arith.constant 2 : i32
          %mul3A_367 = arith.muli %add3A_287, %mul3A_366 : i32
          %add3A_368 = arith.constant 0 : i32
          %add3A_369 = arith.addi %mul3A_367, %add3A_368 : i32
          %mul3A_370 = arith.constant 128 : i32
          %mul3A_371 = arith.muli %add3A_369, %mul3A_370 : i32
          %dma_start3A_372 = arith.constant 0 : i32
          %dma_start3A_373 = arith.constant 0 : i32
          %dma_start3A_374 = tpu.memref_slice %arg22[%dma_start3A_372, %dma_start3A_373] : memref<256x48xf32, #tpu.memory_space<vmem>> -> memref<128x48xf32, #tpu.memory_space<vmem>>
          %dma_start3A_375 = tpu.memref_slice %arg14[%mul3A_371] : memref<3328xi32, #tpu.memory_space<vmem>> -> memref<128xi32, #tpu.memory_space<vmem>>
          %dma_start3A_376 = arith.constant 0 : i32
          %dma_start3A_377 = arith.constant 0 : i32
          %dma_start3A_378 = tpu.memref_slice %arg9[%dma_start3A_376, %dma_start3A_377] : memref<100000x48xf32, #tpu.memory_space<hbm>> -> memref<100000x48xf32, #tpu.memory_space<hbm>>
          tpu.enqueue_indirect_dma source(%dma_start3A_378 : memref<100000x48xf32, #tpu.memory_space<hbm>>) target(%dma_start3A_374 : memref<128x48xf32, #tpu.memory_space<vmem>>) offsets(%dma_start3A_375 : memref<128xi32, #tpu.memory_space<vmem>>) semaphore(%arg23 : memref<!tpu.dma_semaphore, #tpu.memory_space<semaphore_mem>>)
          %mul3A_379 = arith.constant 2 : i32
          %mul3A_380 = arith.muli %add3A_287, %mul3A_379 : i32
          %add3A_381 = arith.constant 1 : i32
          %add3A_382 = arith.addi %mul3A_380, %add3A_381 : i32
          %mul3A_383 = arith.constant 128 : i32
          %mul3A_384 = arith.muli %add3A_382, %mul3A_383 : i32
          %dma_start3A_385 = arith.constant 128 : i32
          %dma_start3A_386 = arith.constant 0 : i32
          %dma_start3A_387 = tpu.memref_slice %arg22[%dma_start3A_385, %dma_start3A_386] : memref<256x48xf32, #tpu.memory_space<vmem>> -> memref<128x48xf32, #tpu.memory_space<vmem>>
          %dma_start3A_388 = tpu.memref_slice %arg14[%mul3A_384] : memref<3328xi32, #tpu.memory_space<vmem>> -> memref<128xi32, #tpu.memory_space<vmem>>
          %dma_start3A_389 = arith.constant 0 : i32
          %dma_start3A_390 = arith.constant 0 : i32
          %dma_start3A_391 = tpu.memref_slice %arg9[%dma_start3A_389, %dma_start3A_390] : memref<100000x48xf32, #tpu.memory_space<hbm>> -> memref<100000x48xf32, #tpu.memory_space<hbm>>
          tpu.enqueue_indirect_dma source(%dma_start3A_391 : memref<100000x48xf32, #tpu.memory_space<hbm>>) target(%dma_start3A_387 : memref<128x48xf32, #tpu.memory_space<vmem>>) offsets(%dma_start3A_388 : memref<128xi32, #tpu.memory_space<vmem>>) semaphore(%arg23 : memref<!tpu.dma_semaphore, #tpu.memory_space<semaphore_mem>>)
        } else {
        }
      } else {
      }
      %mul3A_144 = arith.constant 2 : i32
      %mul3A_145 = arith.muli %mul3A_144, %scan3A_135 : i32
      %add3A_146 = arith.constant 1 : i32
      %add3A_147 = arith.addi %mul3A_145, %add3A_146 : i32
      %lt3A_148 = arith.cmpi slt, %add3A_147, %select_n3A : i32
      %convert_element_type3A_149 = arith.extui %lt3A_148 : i1 to i32
      %cond3A_150 = arith.constant 0 : i32
      %cond3A_151 = arith.cmpi ne, %convert_element_type3A_149, %cond3A_150 : i32
      scf.if %cond3A_151 {
        %add3A_152 = arith.addi %add3A_4, %add3A_147 : i32
        %mul3A_153 = arith.constant 256 : i32
        %mul3A_154 = arith.muli %add3A_152, %mul3A_153 : i32
        %multiple_of3A_155 = tpu.assume_multiple %mul3A_154, 256 : i32
        %mul3A_156 = arith.constant 2 : i32
        %mul3A_157 = arith.muli %add3A_147, %mul3A_156 : i32
        %add3A_158 = arith.constant 0 : i32
        %add3A_159 = arith.addi %mul3A_157, %add3A_158 : i32
        %mul3A_160 = arith.constant 128 : i32
        %mul3A_161 = arith.muli %add3A_159, %mul3A_160 : i32
        %dma_wait3A = arith.constant 0 : i32
        %dma_wait3A_162 = arith.constant 0 : i32
        %dma_wait3A_163 = tpu.memref_slice %arg19[%dma_wait3A, %dma_wait3A_162] : memref<256x16xf32, #tpu.memory_space<vmem>> -> memref<128x16xf32, #tpu.memory_space<vmem>>
        %dma_wait3A_164 = tpu.memref_slice %arg11[%mul3A_161] : memref<3328xi32, #tpu.memory_space<vmem>> -> memref<128xi32, #tpu.memory_space<vmem>>
        %dma_wait3A_165 = arith.constant 0 : i32
        %dma_wait3A_166 = arith.constant 0 : i32
        %dma_wait3A_167 = tpu.memref_slice %arg6[%dma_wait3A_165, %dma_wait3A_166] : memref<128x16xf32, #tpu.memory_space<hbm>> -> memref<128x16xf32, #tpu.memory_space<hbm>>
        tpu.wait_indirect_dma semaphore(%arg23 : memref<!tpu.dma_semaphore, #tpu.memory_space<semaphore_mem>>) src(%dma_wait3A_167 : memref<128x16xf32, #tpu.memory_space<hbm>>) dst(%dma_wait3A_163 : memref<128x16xf32, #tpu.memory_space<vmem>>)
        %mul3A_168 = arith.constant 2 : i32
        %mul3A_169 = arith.muli %add3A_147, %mul3A_168 : i32
        %add3A_170 = arith.constant 1 : i32
        %add3A_171 = arith.addi %mul3A_169, %add3A_170 : i32
        %mul3A_172 = arith.constant 128 : i32
        %mul3A_173 = arith.muli %add3A_171, %mul3A_172 : i32
        %dma_wait3A_174 = arith.constant 128 : i32
        %dma_wait3A_175 = arith.constant 0 : i32
        %dma_wait3A_176 = tpu.memref_slice %arg19[%dma_wait3A_174, %dma_wait3A_175] : memref<256x16xf32, #tpu.memory_space<vmem>> -> memref<128x16xf32, #tpu.memory_space<vmem>>
        %dma_wait3A_177 = tpu.memref_slice %arg11[%mul3A_173] : memref<3328xi32, #tpu.memory_space<vmem>> -> memref<128xi32, #tpu.memory_space<vmem>>
        %dma_wait3A_178 = arith.constant 0 : i32
        %dma_wait3A_179 = arith.constant 0 : i32
        %dma_wait3A_180 = tpu.memref_slice %arg6[%dma_wait3A_178, %dma_wait3A_179] : memref<128x16xf32, #tpu.memory_space<hbm>> -> memref<128x16xf32, #tpu.memory_space<hbm>>
        tpu.wait_indirect_dma semaphore(%arg23 : memref<!tpu.dma_semaphore, #tpu.memory_space<semaphore_mem>>) src(%dma_wait3A_180 : memref<128x16xf32, #tpu.memory_space<hbm>>) dst(%dma_wait3A_176 : memref<128x16xf32, #tpu.memory_space<vmem>>)
        %mul3A_181 = arith.constant 2 : i32
        %mul3A_182 = arith.muli %add3A_147, %mul3A_181 : i32
        %add3A_183 = arith.constant 0 : i32
        %add3A_184 = arith.addi %mul3A_182, %add3A_183 : i32
        %mul3A_185 = arith.constant 128 : i32
        %mul3A_186 = arith.muli %add3A_184, %mul3A_185 : i32
        %dma_wait3A_187 = arith.constant 0 : i32
        %dma_wait3A_188 = arith.constant 0 : i32
        %dma_wait3A_189 = tpu.memref_slice %arg20[%dma_wait3A_187, %dma_wait3A_188] : memref<256x32xf32, #tpu.memory_space<vmem>> -> memref<128x32xf32, #tpu.memory_space<vmem>>
        %dma_wait3A_190 = tpu.memref_slice %arg12[%mul3A_186] : memref<3328xi32, #tpu.memory_space<vmem>> -> memref<128xi32, #tpu.memory_space<vmem>>
        %dma_wait3A_191 = arith.constant 0 : i32
        %dma_wait3A_192 = arith.constant 0 : i32
        %dma_wait3A_193 = tpu.memref_slice %arg7[%dma_wait3A_191, %dma_wait3A_192] : memref<1024x32xf32, #tpu.memory_space<hbm>> -> memref<1024x32xf32, #tpu.memory_space<hbm>>
        tpu.wait_indirect_dma semaphore(%arg23 : memref<!tpu.dma_semaphore, #tpu.memory_space<semaphore_mem>>) src(%dma_wait3A_193 : memref<1024x32xf32, #tpu.memory_space<hbm>>) dst(%dma_wait3A_189 : memref<128x32xf32, #tpu.memory_space<vmem>>)
        %mul3A_194 = arith.constant 2 : i32
        %mul3A_195 = arith.muli %add3A_147, %mul3A_194 : i32
        %add3A_196 = arith.constant 1 : i32
        %add3A_197 = arith.addi %mul3A_195, %add3A_196 : i32
        %mul3A_198 = arith.constant 128 : i32
        %mul3A_199 = arith.muli %add3A_197, %mul3A_198 : i32
        %dma_wait3A_200 = arith.constant 128 : i32
        %dma_wait3A_201 = arith.constant 0 : i32
        %dma_wait3A_202 = tpu.memref_slice %arg20[%dma_wait3A_200, %dma_wait3A_201] : memref<256x32xf32, #tpu.memory_space<vmem>> -> memref<128x32xf32, #tpu.memory_space<vmem>>
        %dma_wait3A_203 = tpu.memref_slice %arg12[%mul3A_199] : memref<3328xi32, #tpu.memory_space<vmem>> -> memref<128xi32, #tpu.memory_space<vmem>>
        %dma_wait3A_204 = arith.constant 0 : i32
        %dma_wait3A_205 = arith.constant 0 : i32
        %dma_wait3A_206 = tpu.memref_slice %arg7[%dma_wait3A_204, %dma_wait3A_205] : memref<1024x32xf32, #tpu.memory_space<hbm>> -> memref<1024x32xf32, #tpu.memory_space<hbm>>
        tpu.wait_indirect_dma semaphore(%arg23 : memref<!tpu.dma_semaphore, #tpu.memory_space<semaphore_mem>>) src(%dma_wait3A_206 : memref<1024x32xf32, #tpu.memory_space<hbm>>) dst(%dma_wait3A_202 : memref<128x32xf32, #tpu.memory_space<vmem>>)
        %mul3A_207 = arith.constant 2 : i32
        %mul3A_208 = arith.muli %add3A_147, %mul3A_207 : i32
        %add3A_209 = arith.constant 0 : i32
        %add3A_210 = arith.addi %mul3A_208, %add3A_209 : i32
        %mul3A_211 = arith.constant 128 : i32
        %mul3A_212 = arith.muli %add3A_210, %mul3A_211 : i32
        %dma_wait3A_213 = arith.constant 0 : i32
        %dma_wait3A_214 = arith.constant 0 : i32
        %dma_wait3A_215 = tpu.memref_slice %arg21[%dma_wait3A_213, %dma_wait3A_214] : memref<256x32xf32, #tpu.memory_space<vmem>> -> memref<128x32xf32, #tpu.memory_space<vmem>>
        %dma_wait3A_216 = tpu.memref_slice %arg13[%mul3A_212] : memref<3328xi32, #tpu.memory_space<vmem>> -> memref<128xi32, #tpu.memory_space<vmem>>
        %dma_wait3A_217 = arith.constant 0 : i32
        %dma_wait3A_218 = arith.constant 0 : i32
        %dma_wait3A_219 = tpu.memref_slice %arg8[%dma_wait3A_217, %dma_wait3A_218] : memref<16384x32xf32, #tpu.memory_space<hbm>> -> memref<16384x32xf32, #tpu.memory_space<hbm>>
        tpu.wait_indirect_dma semaphore(%arg23 : memref<!tpu.dma_semaphore, #tpu.memory_space<semaphore_mem>>) src(%dma_wait3A_219 : memref<16384x32xf32, #tpu.memory_space<hbm>>) dst(%dma_wait3A_215 : memref<128x32xf32, #tpu.memory_space<vmem>>)
        %mul3A_220 = arith.constant 2 : i32
        %mul3A_221 = arith.muli %add3A_147, %mul3A_220 : i32
        %add3A_222 = arith.constant 1 : i32
        %add3A_223 = arith.addi %mul3A_221, %add3A_222 : i32
        %mul3A_224 = arith.constant 128 : i32
        %mul3A_225 = arith.muli %add3A_223, %mul3A_224 : i32
        %dma_wait3A_226 = arith.constant 128 : i32
        %dma_wait3A_227 = arith.constant 0 : i32
        %dma_wait3A_228 = tpu.memref_slice %arg21[%dma_wait3A_226, %dma_wait3A_227] : memref<256x32xf32, #tpu.memory_space<vmem>> -> memref<128x32xf32, #tpu.memory_space<vmem>>
        %dma_wait3A_229 = tpu.memref_slice %arg13[%mul3A_225] : memref<3328xi32, #tpu.memory_space<vmem>> -> memref<128xi32, #tpu.memory_space<vmem>>
        %dma_wait3A_230 = arith.constant 0 : i32
        %dma_wait3A_231 = arith.constant 0 : i32
        %dma_wait3A_232 = tpu.memref_slice %arg8[%dma_wait3A_230, %dma_wait3A_231] : memref<16384x32xf32, #tpu.memory_space<hbm>> -> memref<16384x32xf32, #tpu.memory_space<hbm>>
        tpu.wait_indirect_dma semaphore(%arg23 : memref<!tpu.dma_semaphore, #tpu.memory_space<semaphore_mem>>) src(%dma_wait3A_232 : memref<16384x32xf32, #tpu.memory_space<hbm>>) dst(%dma_wait3A_228 : memref<128x32xf32, #tpu.memory_space<vmem>>)
        %mul3A_233 = arith.constant 2 : i32
        %mul3A_234 = arith.muli %add3A_147, %mul3A_233 : i32
        %add3A_235 = arith.constant 0 : i32
        %add3A_236 = arith.addi %mul3A_234, %add3A_235 : i32
        %mul3A_237 = arith.constant 128 : i32
        %mul3A_238 = arith.muli %add3A_236, %mul3A_237 : i32
        %dma_wait3A_239 = arith.constant 0 : i32
        %dma_wait3A_240 = arith.constant 0 : i32
        %dma_wait3A_241 = tpu.memref_slice %arg22[%dma_wait3A_239, %dma_wait3A_240] : memref<256x48xf32, #tpu.memory_space<vmem>> -> memref<128x48xf32, #tpu.memory_space<vmem>>
        %dma_wait3A_242 = tpu.memref_slice %arg14[%mul3A_238] : memref<3328xi32, #tpu.memory_space<vmem>> -> memref<128xi32, #tpu.memory_space<vmem>>
        %dma_wait3A_243 = arith.constant 0 : i32
        %dma_wait3A_244 = arith.constant 0 : i32
        %dma_wait3A_245 = tpu.memref_slice %arg9[%dma_wait3A_243, %dma_wait3A_244] : memref<100000x48xf32, #tpu.memory_space<hbm>> -> memref<100000x48xf32, #tpu.memory_space<hbm>>
        tpu.wait_indirect_dma semaphore(%arg23 : memref<!tpu.dma_semaphore, #tpu.memory_space<semaphore_mem>>) src(%dma_wait3A_245 : memref<100000x48xf32, #tpu.memory_space<hbm>>) dst(%dma_wait3A_241 : memref<128x48xf32, #tpu.memory_space<vmem>>)
        %mul3A_246 = arith.constant 2 : i32
        %mul3A_247 = arith.muli %add3A_147, %mul3A_246 : i32
        %add3A_248 = arith.constant 1 : i32
        %add3A_249 = arith.addi %mul3A_247, %add3A_248 : i32
        %mul3A_250 = arith.constant 128 : i32
        %mul3A_251 = arith.muli %add3A_249, %mul3A_250 : i32
        %dma_wait3A_252 = arith.constant 128 : i32
        %dma_wait3A_253 = arith.constant 0 : i32
        %dma_wait3A_254 = tpu.memref_slice %arg22[%dma_wait3A_252, %dma_wait3A_253] : memref<256x48xf32, #tpu.memory_space<vmem>> -> memref<128x48xf32, #tpu.memory_space<vmem>>
        %dma_wait3A_255 = tpu.memref_slice %arg14[%mul3A_251] : memref<3328xi32, #tpu.memory_space<vmem>> -> memref<128xi32, #tpu.memory_space<vmem>>
        %dma_wait3A_256 = arith.constant 0 : i32
        %dma_wait3A_257 = arith.constant 0 : i32
        %dma_wait3A_258 = tpu.memref_slice %arg9[%dma_wait3A_256, %dma_wait3A_257] : memref<100000x48xf32, #tpu.memory_space<hbm>> -> memref<100000x48xf32, #tpu.memory_space<hbm>>
        tpu.wait_indirect_dma semaphore(%arg23 : memref<!tpu.dma_semaphore, #tpu.memory_space<semaphore_mem>>) src(%dma_wait3A_258 : memref<100000x48xf32, #tpu.memory_space<hbm>>) dst(%dma_wait3A_254 : memref<128x48xf32, #tpu.memory_space<vmem>>)
        %dma_start3A_259 = arith.constant 0 : i32
        %dma_start3A_260 = tpu.memref_slice %arg10[%multiple_of3A_155, %dma_start3A_259] : memref<100000x128xf32, #tpu.memory_space<hbm>> -> memref<256x16xf32, #tpu.memory_space<hbm>>
        %dma_start3A_261 = arith.constant 0 : i32
        %dma_start3A_262 = tpu.memref_slice %arg10[%multiple_of3A_155, %dma_start3A_261] : memref<100000x128xf32, #tpu.memory_space<hbm>> -> memref<256x16xf32, #tpu.memory_space<hbm>>
        tpu.enqueue_dma source(%arg19 : memref<256x16xf32, #tpu.memory_space<vmem>>) target(%dma_start3A_262 : memref<256x16xf32, #tpu.memory_space<hbm>>) target_semaphore(%arg25 : memref<!tpu.dma_semaphore, #tpu.memory_space<semaphore_mem>>)
        %dma_start3A_263 = arith.constant 16 : i32
        %dma_start3A_264 = tpu.memref_slice %arg10[%multiple_of3A_155, %dma_start3A_263] : memref<100000x128xf32, #tpu.memory_space<hbm>> -> memref<256x32xf32, #tpu.memory_space<hbm>>
        %dma_start3A_265 = arith.constant 16 : i32
        %dma_start3A_266 = tpu.memref_slice %arg10[%multiple_of3A_155, %dma_start3A_265] : memref<100000x128xf32, #tpu.memory_space<hbm>> -> memref<256x32xf32, #tpu.memory_space<hbm>>
        tpu.enqueue_dma source(%arg20 : memref<256x32xf32, #tpu.memory_space<vmem>>) target(%dma_start3A_266 : memref<256x32xf32, #tpu.memory_space<hbm>>) target_semaphore(%arg25 : memref<!tpu.dma_semaphore, #tpu.memory_space<semaphore_mem>>)
        %dma_start3A_267 = arith.constant 48 : i32
        %dma_start3A_268 = tpu.memref_slice %arg10[%multiple_of3A_155, %dma_start3A_267] : memref<100000x128xf32, #tpu.memory_space<hbm>> -> memref<256x32xf32, #tpu.memory_space<hbm>>
        %dma_start3A_269 = arith.constant 48 : i32
        %dma_start3A_270 = tpu.memref_slice %arg10[%multiple_of3A_155, %dma_start3A_269] : memref<100000x128xf32, #tpu.memory_space<hbm>> -> memref<256x32xf32, #tpu.memory_space<hbm>>
        tpu.enqueue_dma source(%arg21 : memref<256x32xf32, #tpu.memory_space<vmem>>) target(%dma_start3A_270 : memref<256x32xf32, #tpu.memory_space<hbm>>) target_semaphore(%arg25 : memref<!tpu.dma_semaphore, #tpu.memory_space<semaphore_mem>>)
        %dma_start3A_271 = arith.constant 80 : i32
        %dma_start3A_272 = tpu.memref_slice %arg10[%multiple_of3A_155, %dma_start3A_271] : memref<100000x128xf32, #tpu.memory_space<hbm>> -> memref<256x48xf32, #tpu.memory_space<hbm>>
        %dma_start3A_273 = arith.constant 80 : i32
        %dma_start3A_274 = tpu.memref_slice %arg10[%multiple_of3A_155, %dma_start3A_273] : memref<100000x128xf32, #tpu.memory_space<hbm>> -> memref<256x48xf32, #tpu.memory_space<hbm>>
        tpu.enqueue_dma source(%arg22 : memref<256x48xf32, #tpu.memory_space<vmem>>) target(%dma_start3A_274 : memref<256x48xf32, #tpu.memory_space<hbm>>) target_semaphore(%arg25 : memref<!tpu.dma_semaphore, #tpu.memory_space<semaphore_mem>>)
        %ge3A_275 = arith.constant 1 : i32
        %ge3A_276 = arith.cmpi sge, %add3A_147, %ge3A_275 : i32
        %convert_element_type3A_277 = arith.extui %ge3A_276 : i1 to i32
        %cond3A_278 = arith.constant 0 : i32
        %cond3A_279 = arith.cmpi ne, %convert_element_type3A_277, %cond3A_278 : i32
        scf.if %cond3A_279 {
          %dma_wait3A_286 = arith.constant 0 : i32
          %dma_wait3A_287 = tpu.memref_slice %arg10[%multiple_of3A_155, %dma_wait3A_286] : memref<100000x128xf32, #tpu.memory_space<hbm>> -> memref<256x16xf32, #tpu.memory_space<hbm>>
          %dma_wait3A_288 = arith.constant 0 : i32
          %dma_wait3A_289 = tpu.memref_slice %arg10[%multiple_of3A_155, %dma_wait3A_288] : memref<100000x128xf32, #tpu.memory_space<hbm>> -> memref<256x16xf32, #tpu.memory_space<hbm>>
          tpu.wait_dma2 semaphore(%arg24 : memref<!tpu.dma_semaphore, #tpu.memory_space<semaphore_mem>>) src(%arg15 : memref<256x16xf32, #tpu.memory_space<vmem>>) dst(%dma_wait3A_289 : memref<256x16xf32, #tpu.memory_space<hbm>>)
          %dma_wait3A_290 = arith.constant 16 : i32
          %dma_wait3A_291 = tpu.memref_slice %arg10[%multiple_of3A_155, %dma_wait3A_290] : memref<100000x128xf32, #tpu.memory_space<hbm>> -> memref<256x32xf32, #tpu.memory_space<hbm>>
          %dma_wait3A_292 = arith.constant 16 : i32
          %dma_wait3A_293 = tpu.memref_slice %arg10[%multiple_of3A_155, %dma_wait3A_292] : memref<100000x128xf32, #tpu.memory_space<hbm>> -> memref<256x32xf32, #tpu.memory_space<hbm>>
          tpu.wait_dma2 semaphore(%arg24 : memref<!tpu.dma_semaphore, #tpu.memory_space<semaphore_mem>>) src(%arg16 : memref<256x32xf32, #tpu.memory_space<vmem>>) dst(%dma_wait3A_293 : memref<256x32xf32, #tpu.memory_space<hbm>>)
          %dma_wait3A_294 = arith.constant 48 : i32
          %dma_wait3A_295 = tpu.memref_slice %arg10[%multiple_of3A_155, %dma_wait3A_294] : memref<100000x128xf32, #tpu.memory_space<hbm>> -> memref<256x32xf32, #tpu.memory_space<hbm>>
          %dma_wait3A_296 = arith.constant 48 : i32
          %dma_wait3A_297 = tpu.memref_slice %arg10[%multiple_of3A_155, %dma_wait3A_296] : memref<100000x128xf32, #tpu.memory_space<hbm>> -> memref<256x32xf32, #tpu.memory_space<hbm>>
          tpu.wait_dma2 semaphore(%arg24 : memref<!tpu.dma_semaphore, #tpu.memory_space<semaphore_mem>>) src(%arg17 : memref<256x32xf32, #tpu.memory_space<vmem>>) dst(%dma_wait3A_297 : memref<256x32xf32, #tpu.memory_space<hbm>>)
          %dma_wait3A_298 = arith.constant 80 : i32
          %dma_wait3A_299 = tpu.memref_slice %arg10[%multiple_of3A_155, %dma_wait3A_298] : memref<100000x128xf32, #tpu.memory_space<hbm>> -> memref<256x48xf32, #tpu.memory_space<hbm>>
          %dma_wait3A_300 = arith.constant 80 : i32
          %dma_wait3A_301 = tpu.memref_slice %arg10[%multiple_of3A_155, %dma_wait3A_300] : memref<100000x128xf32, #tpu.memory_space<hbm>> -> memref<256x48xf32, #tpu.memory_space<hbm>>
          tpu.wait_dma2 semaphore(%arg24 : memref<!tpu.dma_semaphore, #tpu.memory_space<semaphore_mem>>) src(%arg18 : memref<256x48xf32, #tpu.memory_space<vmem>>) dst(%dma_wait3A_301 : memref<256x48xf32, #tpu.memory_space<hbm>>)
        } else {
        }
        %add3A_280 = arith.constant 1 : i32
        %add3A_281 = arith.addi %add3A_147, %add3A_280 : i32
        %lt3A_282 = arith.cmpi slt, %add3A_281, %select_n3A : i32
        %convert_element_type3A_283 = arith.extui %lt3A_282 : i1 to i32
        %cond3A_284 = arith.constant 0 : i32
        %cond3A_285 = arith.cmpi ne, %convert_element_type3A_283, %cond3A_284 : i32
        scf.if %cond3A_285 {
          %add3A_286 = arith.constant 1 : i32
          %add3A_287 = arith.addi %add3A_147, %add3A_286 : i32
          %mul3A_288 = arith.constant 2 : i32
          %mul3A_289 = arith.muli %add3A_287, %mul3A_288 : i32
          %add3A_290 = arith.constant 0 : i32
          %add3A_291 = arith.addi %mul3A_289, %add3A_290 : i32
          %mul3A_292 = arith.constant 128 : i32
          %mul3A_293 = arith.muli %add3A_291, %mul3A_292 : i32
          %dma_start3A_294 = arith.constant 0 : i32
          %dma_start3A_295 = arith.constant 0 : i32
          %dma_start3A_296 = tpu.memref_slice %arg15[%dma_start3A_294, %dma_start3A_295] : memref<256x16xf32, #tpu.memory_space<vmem>> -> memref<128x16xf32, #tpu.memory_space<vmem>>
          %dma_start3A_297 = tpu.memref_slice %arg11[%mul3A_293] : memref<3328xi32, #tpu.memory_space<vmem>> -> memref<128xi32, #tpu.memory_space<vmem>>
          %dma_start3A_298 = arith.constant 0 : i32
          %dma_start3A_299 = arith.constant 0 : i32
          %dma_start3A_300 = tpu.memref_slice %arg6[%dma_start3A_298, %dma_start3A_299] : memref<128x16xf32, #tpu.memory_space<hbm>> -> memref<128x16xf32, #tpu.memory_space<hbm>>
          tpu.enqueue_indirect_dma source(%dma_start3A_300 : memref<128x16xf32, #tpu.memory_space<hbm>>) target(%dma_start3A_296 : memref<128x16xf32, #tpu.memory_space<vmem>>) offsets(%dma_start3A_297 : memref<128xi32, #tpu.memory_space<vmem>>) semaphore(%arg23 : memref<!tpu.dma_semaphore, #tpu.memory_space<semaphore_mem>>)
          %mul3A_301 = arith.constant 2 : i32
          %mul3A_302 = arith.muli %add3A_287, %mul3A_301 : i32
          %add3A_303 = arith.constant 1 : i32
          %add3A_304 = arith.addi %mul3A_302, %add3A_303 : i32
          %mul3A_305 = arith.constant 128 : i32
          %mul3A_306 = arith.muli %add3A_304, %mul3A_305 : i32
          %dma_start3A_307 = arith.constant 128 : i32
          %dma_start3A_308 = arith.constant 0 : i32
          %dma_start3A_309 = tpu.memref_slice %arg15[%dma_start3A_307, %dma_start3A_308] : memref<256x16xf32, #tpu.memory_space<vmem>> -> memref<128x16xf32, #tpu.memory_space<vmem>>
          %dma_start3A_310 = tpu.memref_slice %arg11[%mul3A_306] : memref<3328xi32, #tpu.memory_space<vmem>> -> memref<128xi32, #tpu.memory_space<vmem>>
          %dma_start3A_311 = arith.constant 0 : i32
          %dma_start3A_312 = arith.constant 0 : i32
          %dma_start3A_313 = tpu.memref_slice %arg6[%dma_start3A_311, %dma_start3A_312] : memref<128x16xf32, #tpu.memory_space<hbm>> -> memref<128x16xf32, #tpu.memory_space<hbm>>
          tpu.enqueue_indirect_dma source(%dma_start3A_313 : memref<128x16xf32, #tpu.memory_space<hbm>>) target(%dma_start3A_309 : memref<128x16xf32, #tpu.memory_space<vmem>>) offsets(%dma_start3A_310 : memref<128xi32, #tpu.memory_space<vmem>>) semaphore(%arg23 : memref<!tpu.dma_semaphore, #tpu.memory_space<semaphore_mem>>)
          %mul3A_314 = arith.constant 2 : i32
          %mul3A_315 = arith.muli %add3A_287, %mul3A_314 : i32
          %add3A_316 = arith.constant 0 : i32
          %add3A_317 = arith.addi %mul3A_315, %add3A_316 : i32
          %mul3A_318 = arith.constant 128 : i32
          %mul3A_319 = arith.muli %add3A_317, %mul3A_318 : i32
          %dma_start3A_320 = arith.constant 0 : i32
          %dma_start3A_321 = arith.constant 0 : i32
          %dma_start3A_322 = tpu.memref_slice %arg16[%dma_start3A_320, %dma_start3A_321] : memref<256x32xf32, #tpu.memory_space<vmem>> -> memref<128x32xf32, #tpu.memory_space<vmem>>
          %dma_start3A_323 = tpu.memref_slice %arg12[%mul3A_319] : memref<3328xi32, #tpu.memory_space<vmem>> -> memref<128xi32, #tpu.memory_space<vmem>>
          %dma_start3A_324 = arith.constant 0 : i32
          %dma_start3A_325 = arith.constant 0 : i32
          %dma_start3A_326 = tpu.memref_slice %arg7[%dma_start3A_324, %dma_start3A_325] : memref<1024x32xf32, #tpu.memory_space<hbm>> -> memref<1024x32xf32, #tpu.memory_space<hbm>>
          tpu.enqueue_indirect_dma source(%dma_start3A_326 : memref<1024x32xf32, #tpu.memory_space<hbm>>) target(%dma_start3A_322 : memref<128x32xf32, #tpu.memory_space<vmem>>) offsets(%dma_start3A_323 : memref<128xi32, #tpu.memory_space<vmem>>) semaphore(%arg23 : memref<!tpu.dma_semaphore, #tpu.memory_space<semaphore_mem>>)
          %mul3A_327 = arith.constant 2 : i32
          %mul3A_328 = arith.muli %add3A_287, %mul3A_327 : i32
          %add3A_329 = arith.constant 1 : i32
          %add3A_330 = arith.addi %mul3A_328, %add3A_329 : i32
          %mul3A_331 = arith.constant 128 : i32
          %mul3A_332 = arith.muli %add3A_330, %mul3A_331 : i32
          %dma_start3A_333 = arith.constant 128 : i32
          %dma_start3A_334 = arith.constant 0 : i32
          %dma_start3A_335 = tpu.memref_slice %arg16[%dma_start3A_333, %dma_start3A_334] : memref<256x32xf32, #tpu.memory_space<vmem>> -> memref<128x32xf32, #tpu.memory_space<vmem>>
          %dma_start3A_336 = tpu.memref_slice %arg12[%mul3A_332] : memref<3328xi32, #tpu.memory_space<vmem>> -> memref<128xi32, #tpu.memory_space<vmem>>
          %dma_start3A_337 = arith.constant 0 : i32
          %dma_start3A_338 = arith.constant 0 : i32
          %dma_start3A_339 = tpu.memref_slice %arg7[%dma_start3A_337, %dma_start3A_338] : memref<1024x32xf32, #tpu.memory_space<hbm>> -> memref<1024x32xf32, #tpu.memory_space<hbm>>
          tpu.enqueue_indirect_dma source(%dma_start3A_339 : memref<1024x32xf32, #tpu.memory_space<hbm>>) target(%dma_start3A_335 : memref<128x32xf32, #tpu.memory_space<vmem>>) offsets(%dma_start3A_336 : memref<128xi32, #tpu.memory_space<vmem>>) semaphore(%arg23 : memref<!tpu.dma_semaphore, #tpu.memory_space<semaphore_mem>>)
          %mul3A_340 = arith.constant 2 : i32
          %mul3A_341 = arith.muli %add3A_287, %mul3A_340 : i32
          %add3A_342 = arith.constant 0 : i32
          %add3A_343 = arith.addi %mul3A_341, %add3A_342 : i32
          %mul3A_344 = arith.constant 128 : i32
          %mul3A_345 = arith.muli %add3A_343, %mul3A_344 : i32
          %dma_start3A_346 = arith.constant 0 : i32
          %dma_start3A_347 = arith.constant 0 : i32
          %dma_start3A_348 = tpu.memref_slice %arg17[%dma_start3A_346, %dma_start3A_347] : memref<256x32xf32, #tpu.memory_space<vmem>> -> memref<128x32xf32, #tpu.memory_space<vmem>>
          %dma_start3A_349 = tpu.memref_slice %arg13[%mul3A_345] : memref<3328xi32, #tpu.memory_space<vmem>> -> memref<128xi32, #tpu.memory_space<vmem>>
          %dma_start3A_350 = arith.constant 0 : i32
          %dma_start3A_351 = arith.constant 0 : i32
          %dma_start3A_352 = tpu.memref_slice %arg8[%dma_start3A_350, %dma_start3A_351] : memref<16384x32xf32, #tpu.memory_space<hbm>> -> memref<16384x32xf32, #tpu.memory_space<hbm>>
          tpu.enqueue_indirect_dma source(%dma_start3A_352 : memref<16384x32xf32, #tpu.memory_space<hbm>>) target(%dma_start3A_348 : memref<128x32xf32, #tpu.memory_space<vmem>>) offsets(%dma_start3A_349 : memref<128xi32, #tpu.memory_space<vmem>>) semaphore(%arg23 : memref<!tpu.dma_semaphore, #tpu.memory_space<semaphore_mem>>)
          %mul3A_353 = arith.constant 2 : i32
          %mul3A_354 = arith.muli %add3A_287, %mul3A_353 : i32
          %add3A_355 = arith.constant 1 : i32
          %add3A_356 = arith.addi %mul3A_354, %add3A_355 : i32
          %mul3A_357 = arith.constant 128 : i32
          %mul3A_358 = arith.muli %add3A_356, %mul3A_357 : i32
          %dma_start3A_359 = arith.constant 128 : i32
          %dma_start3A_360 = arith.constant 0 : i32
          %dma_start3A_361 = tpu.memref_slice %arg17[%dma_start3A_359, %dma_start3A_360] : memref<256x32xf32, #tpu.memory_space<vmem>> -> memref<128x32xf32, #tpu.memory_space<vmem>>
          %dma_start3A_362 = tpu.memref_slice %arg13[%mul3A_358] : memref<3328xi32, #tpu.memory_space<vmem>> -> memref<128xi32, #tpu.memory_space<vmem>>
          %dma_start3A_363 = arith.constant 0 : i32
          %dma_start3A_364 = arith.constant 0 : i32
          %dma_start3A_365 = tpu.memref_slice %arg8[%dma_start3A_363, %dma_start3A_364] : memref<16384x32xf32, #tpu.memory_space<hbm>> -> memref<16384x32xf32, #tpu.memory_space<hbm>>
          tpu.enqueue_indirect_dma source(%dma_start3A_365 : memref<16384x32xf32, #tpu.memory_space<hbm>>) target(%dma_start3A_361 : memref<128x32xf32, #tpu.memory_space<vmem>>) offsets(%dma_start3A_362 : memref<128xi32, #tpu.memory_space<vmem>>) semaphore(%arg23 : memref<!tpu.dma_semaphore, #tpu.memory_space<semaphore_mem>>)
          %mul3A_366 = arith.constant 2 : i32
          %mul3A_367 = arith.muli %add3A_287, %mul3A_366 : i32
          %add3A_368 = arith.constant 0 : i32
          %add3A_369 = arith.addi %mul3A_367, %add3A_368 : i32
          %mul3A_370 = arith.constant 128 : i32
          %mul3A_371 = arith.muli %add3A_369, %mul3A_370 : i32
          %dma_start3A_372 = arith.constant 0 : i32
          %dma_start3A_373 = arith.constant 0 : i32
          %dma_start3A_374 = tpu.memref_slice %arg18[%dma_start3A_372, %dma_start3A_373] : memref<256x48xf32, #tpu.memory_space<vmem>> -> memref<128x48xf32, #tpu.memory_space<vmem>>
          %dma_start3A_375 = tpu.memref_slice %arg14[%mul3A_371] : memref<3328xi32, #tpu.memory_space<vmem>> -> memref<128xi32, #tpu.memory_space<vmem>>
          %dma_start3A_376 = arith.constant 0 : i32
          %dma_start3A_377 = arith.constant 0 : i32
          %dma_start3A_378 = tpu.memref_slice %arg9[%dma_start3A_376, %dma_start3A_377] : memref<100000x48xf32, #tpu.memory_space<hbm>> -> memref<100000x48xf32, #tpu.memory_space<hbm>>
          tpu.enqueue_indirect_dma source(%dma_start3A_378 : memref<100000x48xf32, #tpu.memory_space<hbm>>) target(%dma_start3A_374 : memref<128x48xf32, #tpu.memory_space<vmem>>) offsets(%dma_start3A_375 : memref<128xi32, #tpu.memory_space<vmem>>) semaphore(%arg23 : memref<!tpu.dma_semaphore, #tpu.memory_space<semaphore_mem>>)
          %mul3A_379 = arith.constant 2 : i32
          %mul3A_380 = arith.muli %add3A_287, %mul3A_379 : i32
          %add3A_381 = arith.constant 1 : i32
          %add3A_382 = arith.addi %mul3A_380, %add3A_381 : i32
          %mul3A_383 = arith.constant 128 : i32
          %mul3A_384 = arith.muli %add3A_382, %mul3A_383 : i32
          %dma_start3A_385 = arith.constant 128 : i32
          %dma_start3A_386 = arith.constant 0 : i32
          %dma_start3A_387 = tpu.memref_slice %arg18[%dma_start3A_385, %dma_start3A_386] : memref<256x48xf32, #tpu.memory_space<vmem>> -> memref<128x48xf32, #tpu.memory_space<vmem>>
          %dma_start3A_388 = tpu.memref_slice %arg14[%mul3A_384] : memref<3328xi32, #tpu.memory_space<vmem>> -> memref<128xi32, #tpu.memory_space<vmem>>
          %dma_start3A_389 = arith.constant 0 : i32
          %dma_start3A_390 = arith.constant 0 : i32
          %dma_start3A_391 = tpu.memref_slice %arg9[%dma_start3A_389, %dma_start3A_390] : memref<100000x48xf32, #tpu.memory_space<hbm>> -> memref<100000x48xf32, #tpu.memory_space<hbm>>
          tpu.enqueue_indirect_dma source(%dma_start3A_391 : memref<100000x48xf32, #tpu.memory_space<hbm>>) target(%dma_start3A_387 : memref<128x48xf32, #tpu.memory_space<vmem>>) offsets(%dma_start3A_388 : memref<128xi32, #tpu.memory_space<vmem>>) semaphore(%arg23 : memref<!tpu.dma_semaphore, #tpu.memory_space<semaphore_mem>>)
        } else {
        }
      } else {
      }
    }
    %scan3A_87 = arith.constant 7 : i32
    %sub3A = arith.constant 1 : i32
    %sub3A_88 = arith.subi %select_n3A, %sub3A : i32
    %jit3A_89 = arith.constant 2 : i32
    %eq3A_90 = arith.constant 0 : i32
    %eq3A_91 = arith.cmpi eq, %jit3A_89, %eq3A_90 : i32
    %jit3A_92 = arith.constant 1 : i32
    %select_n3A_93 = arith.select %eq3A_91, %jit3A_92, %jit3A_89 : i32
    %rem3A = arith.remsi %sub3A_88, %select_n3A_93 : i32
    %ne3A = arith.constant 0 : i32
    %ne3A_94 = arith.cmpi ne, %rem3A, %ne3A : i32
    %lt3A_95 = arith.constant 0 : i32
    %lt3A_96 = arith.cmpi slt, %rem3A, %lt3A_95 : i32
    %lt3A_97 = arith.constant 0 : i32
    %lt3A_98 = arith.cmpi slt, %select_n3A_93, %lt3A_97 : i32
    %ne3A_99 = arith.xori %lt3A_96, %lt3A_98 : i1
    %and3A = arith.andi %ne3A_99, %ne3A_94 : i1
    %add3A_100 = arith.addi %rem3A, %select_n3A_93 : i32
    %select_n3A_101 = arith.select %and3A, %add3A_100, %rem3A : i32
    %eq3A_102 = arith.constant 0 : i32
    %eq3A_103 = arith.cmpi eq, %select_n3A_101, %eq3A_102 : i32
    %convert_element_type3A_104 = arith.extui %eq3A_103 : i1 to i32
    %cond3A_105 = arith.constant 0 : i32
    %cond3A_106 = arith.cmpi ne, %convert_element_type3A_104, %cond3A_105 : i32
    scf.if %cond3A_106 {
      %dma_wait3A = arith.constant 0 : i32
      %dma_wait3A_135 = arith.constant 0 : i32
      %dma_wait3A_136 = tpu.memref_slice %arg10[%dma_wait3A, %dma_wait3A_135] : memref<100000x128xf32, #tpu.memory_space<hbm>> -> memref<256x16xf32, #tpu.memory_space<hbm>>
      %dma_wait3A_137 = arith.constant 0 : i32
      %dma_wait3A_138 = arith.constant 0 : i32
      %dma_wait3A_139 = tpu.memref_slice %arg10[%dma_wait3A_137, %dma_wait3A_138] : memref<100000x128xf32, #tpu.memory_space<hbm>> -> memref<256x16xf32, #tpu.memory_space<hbm>>
      tpu.wait_dma2 semaphore(%arg24 : memref<!tpu.dma_semaphore, #tpu.memory_space<semaphore_mem>>) src(%arg15 : memref<256x16xf32, #tpu.memory_space<vmem>>) dst(%dma_wait3A_139 : memref<256x16xf32, #tpu.memory_space<hbm>>)
      %dma_wait3A_140 = arith.constant 0 : i32
      %dma_wait3A_141 = arith.constant 16 : i32
      %dma_wait3A_142 = tpu.memref_slice %arg10[%dma_wait3A_140, %dma_wait3A_141] : memref<100000x128xf32, #tpu.memory_space<hbm>> -> memref<256x32xf32, #tpu.memory_space<hbm>>
      %dma_wait3A_143 = arith.constant 0 : i32
      %dma_wait3A_144 = arith.constant 16 : i32
      %dma_wait3A_145 = tpu.memref_slice %arg10[%dma_wait3A_143, %dma_wait3A_144] : memref<100000x128xf32, #tpu.memory_space<hbm>> -> memref<256x32xf32, #tpu.memory_space<hbm>>
      tpu.wait_dma2 semaphore(%arg24 : memref<!tpu.dma_semaphore, #tpu.memory_space<semaphore_mem>>) src(%arg16 : memref<256x32xf32, #tpu.memory_space<vmem>>) dst(%dma_wait3A_145 : memref<256x32xf32, #tpu.memory_space<hbm>>)
      %dma_wait3A_146 = arith.constant 0 : i32
      %dma_wait3A_147 = arith.constant 48 : i32
      %dma_wait3A_148 = tpu.memref_slice %arg10[%dma_wait3A_146, %dma_wait3A_147] : memref<100000x128xf32, #tpu.memory_space<hbm>> -> memref<256x32xf32, #tpu.memory_space<hbm>>
      %dma_wait3A_149 = arith.constant 0 : i32
      %dma_wait3A_150 = arith.constant 48 : i32
      %dma_wait3A_151 = tpu.memref_slice %arg10[%dma_wait3A_149, %dma_wait3A_150] : memref<100000x128xf32, #tpu.memory_space<hbm>> -> memref<256x32xf32, #tpu.memory_space<hbm>>
      tpu.wait_dma2 semaphore(%arg24 : memref<!tpu.dma_semaphore, #tpu.memory_space<semaphore_mem>>) src(%arg17 : memref<256x32xf32, #tpu.memory_space<vmem>>) dst(%dma_wait3A_151 : memref<256x32xf32, #tpu.memory_space<hbm>>)
      %dma_wait3A_152 = arith.constant 0 : i32
      %dma_wait3A_153 = arith.constant 80 : i32
      %dma_wait3A_154 = tpu.memref_slice %arg10[%dma_wait3A_152, %dma_wait3A_153] : memref<100000x128xf32, #tpu.memory_space<hbm>> -> memref<256x48xf32, #tpu.memory_space<hbm>>
      %dma_wait3A_155 = arith.constant 0 : i32
      %dma_wait3A_156 = arith.constant 80 : i32
      %dma_wait3A_157 = tpu.memref_slice %arg10[%dma_wait3A_155, %dma_wait3A_156] : memref<100000x128xf32, #tpu.memory_space<hbm>> -> memref<256x48xf32, #tpu.memory_space<hbm>>
      tpu.wait_dma2 semaphore(%arg24 : memref<!tpu.dma_semaphore, #tpu.memory_space<semaphore_mem>>) src(%arg18 : memref<256x48xf32, #tpu.memory_space<vmem>>) dst(%dma_wait3A_157 : memref<256x48xf32, #tpu.memory_space<hbm>>)
    } else {
    }
    %sub3A_107 = arith.constant 1 : i32
    %sub3A_108 = arith.subi %select_n3A, %sub3A_107 : i32
    %jit3A_109 = arith.constant 2 : i32
    %eq3A_110 = arith.constant 0 : i32
    %eq3A_111 = arith.cmpi eq, %jit3A_109, %eq3A_110 : i32
    %jit3A_112 = arith.constant 1 : i32
    %select_n3A_113 = arith.select %eq3A_111, %jit3A_112, %jit3A_109 : i32
    %rem3A_114 = arith.remsi %sub3A_108, %select_n3A_113 : i32
    %ne3A_115 = arith.constant 0 : i32
    %ne3A_116 = arith.cmpi ne, %rem3A_114, %ne3A_115 : i32
    %lt3A_117 = arith.constant 0 : i32
    %lt3A_118 = arith.cmpi slt, %rem3A_114, %lt3A_117 : i32
    %lt3A_119 = arith.constant 0 : i32
    %lt3A_120 = arith.cmpi slt, %select_n3A_113, %lt3A_119 : i32
    %ne3A_121 = arith.xori %lt3A_118, %lt3A_120 : i1
    %and3A_122 = arith.andi %ne3A_121, %ne3A_116 : i1
    %add3A_123 = arith.addi %rem3A_114, %select_n3A_113 : i32
    %select_n3A_124 = arith.select %and3A_122, %add3A_123, %rem3A_114 : i32
    %eq3A_125 = arith.constant 1 : i32
    %eq3A_126 = arith.cmpi eq, %select_n3A_124, %eq3A_125 : i32
    %convert_element_type3A_127 = arith.extui %eq3A_126 : i1 to i32
    %cond3A_128 = arith.constant 0 : i32
    %cond3A_129 = arith.cmpi ne, %convert_element_type3A_127, %cond3A_128 : i32
    scf.if %cond3A_129 {
      %dma_wait3A = arith.constant 0 : i32
      %dma_wait3A_135 = arith.constant 0 : i32
      %dma_wait3A_136 = tpu.memref_slice %arg10[%dma_wait3A, %dma_wait3A_135] : memref<100000x128xf32, #tpu.memory_space<hbm>> -> memref<256x16xf32, #tpu.memory_space<hbm>>
      %dma_wait3A_137 = arith.constant 0 : i32
      %dma_wait3A_138 = arith.constant 0 : i32
      %dma_wait3A_139 = tpu.memref_slice %arg10[%dma_wait3A_137, %dma_wait3A_138] : memref<100000x128xf32, #tpu.memory_space<hbm>> -> memref<256x16xf32, #tpu.memory_space<hbm>>
      tpu.wait_dma2 semaphore(%arg25 : memref<!tpu.dma_semaphore, #tpu.memory_space<semaphore_mem>>) src(%arg19 : memref<256x16xf32, #tpu.memory_space<vmem>>) dst(%dma_wait3A_139 : memref<256x16xf32, #tpu.memory_space<hbm>>)
      %dma_wait3A_140 = arith.constant 0 : i32
      %dma_wait3A_141 = arith.constant 16 : i32
      %dma_wait3A_142 = tpu.memref_slice %arg10[%dma_wait3A_140, %dma_wait3A_141] : memref<100000x128xf32, #tpu.memory_space<hbm>> -> memref<256x32xf32, #tpu.memory_space<hbm>>
      %dma_wait3A_143 = arith.constant 0 : i32
      %dma_wait3A_144 = arith.constant 16 : i32
      %dma_wait3A_145 = tpu.memref_slice %arg10[%dma_wait3A_143, %dma_wait3A_144] : memref<100000x128xf32, #tpu.memory_space<hbm>> -> memref<256x32xf32, #tpu.memory_space<hbm>>
      tpu.wait_dma2 semaphore(%arg25 : memref<!tpu.dma_semaphore, #tpu.memory_space<semaphore_mem>>) src(%arg20 : memref<256x32xf32, #tpu.memory_space<vmem>>) dst(%dma_wait3A_145 : memref<256x32xf32, #tpu.memory_space<hbm>>)
      %dma_wait3A_146 = arith.constant 0 : i32
      %dma_wait3A_147 = arith.constant 48 : i32
      %dma_wait3A_148 = tpu.memref_slice %arg10[%dma_wait3A_146, %dma_wait3A_147] : memref<100000x128xf32, #tpu.memory_space<hbm>> -> memref<256x32xf32, #tpu.memory_space<hbm>>
      %dma_wait3A_149 = arith.constant 0 : i32
      %dma_wait3A_150 = arith.constant 48 : i32
      %dma_wait3A_151 = tpu.memref_slice %arg10[%dma_wait3A_149, %dma_wait3A_150] : memref<100000x128xf32, #tpu.memory_space<hbm>> -> memref<256x32xf32, #tpu.memory_space<hbm>>
      tpu.wait_dma2 semaphore(%arg25 : memref<!tpu.dma_semaphore, #tpu.memory_space<semaphore_mem>>) src(%arg21 : memref<256x32xf32, #tpu.memory_space<vmem>>) dst(%dma_wait3A_151 : memref<256x32xf32, #tpu.memory_space<hbm>>)
      %dma_wait3A_152 = arith.constant 0 : i32
      %dma_wait3A_153 = arith.constant 80 : i32
      %dma_wait3A_154 = tpu.memref_slice %arg10[%dma_wait3A_152, %dma_wait3A_153] : memref<100000x128xf32, #tpu.memory_space<hbm>> -> memref<256x48xf32, #tpu.memory_space<hbm>>
      %dma_wait3A_155 = arith.constant 0 : i32
      %dma_wait3A_156 = arith.constant 80 : i32
      %dma_wait3A_157 = tpu.memref_slice %arg10[%dma_wait3A_155, %dma_wait3A_156] : memref<100000x128xf32, #tpu.memory_space<hbm>> -> memref<256x48xf32, #tpu.memory_space<hbm>>
      tpu.wait_dma2 semaphore(%arg25 : memref<!tpu.dma_semaphore, #tpu.memory_space<semaphore_mem>>) src(%arg22 : memref<256x48xf32, #tpu.memory_space<vmem>>) dst(%dma_wait3A_157 : memref<256x48xf32, #tpu.memory_space<hbm>>)
    } else {
    }
    %eq3A_130 = arith.constant 31 : i32
    %eq3A_131 = arith.cmpi eq, %add3A, %eq3A_130 : i32
    %convert_element_type3A_132 = arith.extui %eq3A_131 : i1 to i32
    %cond3A_133 = arith.constant 0 : i32
    %cond3A_134 = arith.cmpi ne, %convert_element_type3A_132, %cond3A_133 : i32
    scf.if %cond3A_134 {
      %dma_start3A_135 = arith.constant 0 : i32
      %dma_start3A_136 = arith.constant 0 : i32
      %dma_start3A_137 = tpu.memref_slice %arg15[%dma_start3A_135, %dma_start3A_136] : memref<256x16xf32, #tpu.memory_space<vmem>> -> memref<128x16xf32, #tpu.memory_space<vmem>>
      %dma_start3A_138 = arith.constant 3072 : i32
      %dma_start3A_139 = tpu.memref_slice %arg11[%dma_start3A_138] : memref<3328xi32, #tpu.memory_space<vmem>> -> memref<128xi32, #tpu.memory_space<vmem>>
      %dma_start3A_140 = arith.constant 0 : i32
      %dma_start3A_141 = arith.constant 0 : i32
      %dma_start3A_142 = tpu.memref_slice %arg6[%dma_start3A_140, %dma_start3A_141] : memref<128x16xf32, #tpu.memory_space<hbm>> -> memref<128x16xf32, #tpu.memory_space<hbm>>
      tpu.enqueue_indirect_dma source(%dma_start3A_142 : memref<128x16xf32, #tpu.memory_space<hbm>>) target(%dma_start3A_137 : memref<128x16xf32, #tpu.memory_space<vmem>>) offsets(%dma_start3A_139 : memref<128xi32, #tpu.memory_space<vmem>>) semaphore(%arg23 : memref<!tpu.dma_semaphore, #tpu.memory_space<semaphore_mem>>)
      %dma_start3A_143 = arith.constant 128 : i32
      %dma_start3A_144 = arith.constant 0 : i32
      %dma_start3A_145 = tpu.memref_slice %arg15[%dma_start3A_143, %dma_start3A_144] : memref<256x16xf32, #tpu.memory_space<vmem>> -> memref<128x16xf32, #tpu.memory_space<vmem>>
      %dma_start3A_146 = arith.constant 3200 : i32
      %dma_start3A_147 = tpu.memref_slice %arg11[%dma_start3A_146] : memref<3328xi32, #tpu.memory_space<vmem>> -> memref<128xi32, #tpu.memory_space<vmem>>
      %dma_start3A_148 = arith.constant 0 : i32
      %dma_start3A_149 = arith.constant 0 : i32
      %dma_start3A_150 = tpu.memref_slice %arg6[%dma_start3A_148, %dma_start3A_149] : memref<128x16xf32, #tpu.memory_space<hbm>> -> memref<128x16xf32, #tpu.memory_space<hbm>>
      tpu.enqueue_indirect_dma source(%dma_start3A_150 : memref<128x16xf32, #tpu.memory_space<hbm>>) target(%dma_start3A_145 : memref<128x16xf32, #tpu.memory_space<vmem>>) offsets(%dma_start3A_147 : memref<128xi32, #tpu.memory_space<vmem>>) semaphore(%arg23 : memref<!tpu.dma_semaphore, #tpu.memory_space<semaphore_mem>>)
      %dma_start3A_151 = arith.constant 0 : i32
      %dma_start3A_152 = arith.constant 0 : i32
      %dma_start3A_153 = tpu.memref_slice %arg16[%dma_start3A_151, %dma_start3A_152] : memref<256x32xf32, #tpu.memory_space<vmem>> -> memref<128x32xf32, #tpu.memory_space<vmem>>
      %dma_start3A_154 = arith.constant 3072 : i32
      %dma_start3A_155 = tpu.memref_slice %arg12[%dma_start3A_154] : memref<3328xi32, #tpu.memory_space<vmem>> -> memref<128xi32, #tpu.memory_space<vmem>>
      %dma_start3A_156 = arith.constant 0 : i32
      %dma_start3A_157 = arith.constant 0 : i32
      %dma_start3A_158 = tpu.memref_slice %arg7[%dma_start3A_156, %dma_start3A_157] : memref<1024x32xf32, #tpu.memory_space<hbm>> -> memref<1024x32xf32, #tpu.memory_space<hbm>>
      tpu.enqueue_indirect_dma source(%dma_start3A_158 : memref<1024x32xf32, #tpu.memory_space<hbm>>) target(%dma_start3A_153 : memref<128x32xf32, #tpu.memory_space<vmem>>) offsets(%dma_start3A_155 : memref<128xi32, #tpu.memory_space<vmem>>) semaphore(%arg23 : memref<!tpu.dma_semaphore, #tpu.memory_space<semaphore_mem>>)
      %dma_start3A_159 = arith.constant 128 : i32
      %dma_start3A_160 = arith.constant 0 : i32
      %dma_start3A_161 = tpu.memref_slice %arg16[%dma_start3A_159, %dma_start3A_160] : memref<256x32xf32, #tpu.memory_space<vmem>> -> memref<128x32xf32, #tpu.memory_space<vmem>>
      %dma_start3A_162 = arith.constant 3200 : i32
      %dma_start3A_163 = tpu.memref_slice %arg12[%dma_start3A_162] : memref<3328xi32, #tpu.memory_space<vmem>> -> memref<128xi32, #tpu.memory_space<vmem>>
      %dma_start3A_164 = arith.constant 0 : i32
      %dma_start3A_165 = arith.constant 0 : i32
      %dma_start3A_166 = tpu.memref_slice %arg7[%dma_start3A_164, %dma_start3A_165] : memref<1024x32xf32, #tpu.memory_space<hbm>> -> memref<1024x32xf32, #tpu.memory_space<hbm>>
      tpu.enqueue_indirect_dma source(%dma_start3A_166 : memref<1024x32xf32, #tpu.memory_space<hbm>>) target(%dma_start3A_161 : memref<128x32xf32, #tpu.memory_space<vmem>>) offsets(%dma_start3A_163 : memref<128xi32, #tpu.memory_space<vmem>>) semaphore(%arg23 : memref<!tpu.dma_semaphore, #tpu.memory_space<semaphore_mem>>)
      %dma_start3A_167 = arith.constant 0 : i32
      %dma_start3A_168 = arith.constant 0 : i32
      %dma_start3A_169 = tpu.memref_slice %arg17[%dma_start3A_167, %dma_start3A_168] : memref<256x32xf32, #tpu.memory_space<vmem>> -> memref<128x32xf32, #tpu.memory_space<vmem>>
      %dma_start3A_170 = arith.constant 3072 : i32
      %dma_start3A_171 = tpu.memref_slice %arg13[%dma_start3A_170] : memref<3328xi32, #tpu.memory_space<vmem>> -> memref<128xi32, #tpu.memory_space<vmem>>
      %dma_start3A_172 = arith.constant 0 : i32
      %dma_start3A_173 = arith.constant 0 : i32
      %dma_start3A_174 = tpu.memref_slice %arg8[%dma_start3A_172, %dma_start3A_173] : memref<16384x32xf32, #tpu.memory_space<hbm>> -> memref<16384x32xf32, #tpu.memory_space<hbm>>
      tpu.enqueue_indirect_dma source(%dma_start3A_174 : memref<16384x32xf32, #tpu.memory_space<hbm>>) target(%dma_start3A_169 : memref<128x32xf32, #tpu.memory_space<vmem>>) offsets(%dma_start3A_171 : memref<128xi32, #tpu.memory_space<vmem>>) semaphore(%arg23 : memref<!tpu.dma_semaphore, #tpu.memory_space<semaphore_mem>>)
      %dma_start3A_175 = arith.constant 128 : i32
      %dma_start3A_176 = arith.constant 0 : i32
      %dma_start3A_177 = tpu.memref_slice %arg17[%dma_start3A_175, %dma_start3A_176] : memref<256x32xf32, #tpu.memory_space<vmem>> -> memref<128x32xf32, #tpu.memory_space<vmem>>
      %dma_start3A_178 = arith.constant 3200 : i32
      %dma_start3A_179 = tpu.memref_slice %arg13[%dma_start3A_178] : memref<3328xi32, #tpu.memory_space<vmem>> -> memref<128xi32, #tpu.memory_space<vmem>>
      %dma_start3A_180 = arith.constant 0 : i32
      %dma_start3A_181 = arith.constant 0 : i32
      %dma_start3A_182 = tpu.memref_slice %arg8[%dma_start3A_180, %dma_start3A_181] : memref<16384x32xf32, #tpu.memory_space<hbm>> -> memref<16384x32xf32, #tpu.memory_space<hbm>>
      tpu.enqueue_indirect_dma source(%dma_start3A_182 : memref<16384x32xf32, #tpu.memory_space<hbm>>) target(%dma_start3A_177 : memref<128x32xf32, #tpu.memory_space<vmem>>) offsets(%dma_start3A_179 : memref<128xi32, #tpu.memory_space<vmem>>) semaphore(%arg23 : memref<!tpu.dma_semaphore, #tpu.memory_space<semaphore_mem>>)
      %dma_start3A_183 = arith.constant 0 : i32
      %dma_start3A_184 = arith.constant 0 : i32
      %dma_start3A_185 = tpu.memref_slice %arg18[%dma_start3A_183, %dma_start3A_184] : memref<256x48xf32, #tpu.memory_space<vmem>> -> memref<128x48xf32, #tpu.memory_space<vmem>>
      %dma_start3A_186 = arith.constant 3072 : i32
      %dma_start3A_187 = tpu.memref_slice %arg14[%dma_start3A_186] : memref<3328xi32, #tpu.memory_space<vmem>> -> memref<128xi32, #tpu.memory_space<vmem>>
      %dma_start3A_188 = arith.constant 0 : i32
      %dma_start3A_189 = arith.constant 0 : i32
      %dma_start3A_190 = tpu.memref_slice %arg9[%dma_start3A_188, %dma_start3A_189] : memref<100000x48xf32, #tpu.memory_space<hbm>> -> memref<100000x48xf32, #tpu.memory_space<hbm>>
      tpu.enqueue_indirect_dma source(%dma_start3A_190 : memref<100000x48xf32, #tpu.memory_space<hbm>>) target(%dma_start3A_185 : memref<128x48xf32, #tpu.memory_space<vmem>>) offsets(%dma_start3A_187 : memref<128xi32, #tpu.memory_space<vmem>>) semaphore(%arg23 : memref<!tpu.dma_semaphore, #tpu.memory_space<semaphore_mem>>)
      %dma_start3A_191 = arith.constant 128 : i32
      %dma_start3A_192 = arith.constant 0 : i32
      %dma_start3A_193 = tpu.memref_slice %arg18[%dma_start3A_191, %dma_start3A_192] : memref<256x48xf32, #tpu.memory_space<vmem>> -> memref<128x48xf32, #tpu.memory_space<vmem>>
      %dma_start3A_194 = arith.constant 3200 : i32
      %dma_start3A_195 = tpu.memref_slice %arg14[%dma_start3A_194] : memref<3328xi32, #tpu.memory_space<vmem>> -> memref<128xi32, #tpu.memory_space<vmem>>
      %dma_start3A_196 = arith.constant 0 : i32
      %dma_start3A_197 = arith.constant 0 : i32
      %dma_start3A_198 = tpu.memref_slice %arg9[%dma_start3A_196, %dma_start3A_197] : memref<100000x48xf32, #tpu.memory_space<hbm>> -> memref<100000x48xf32, #tpu.memory_space<hbm>>
      tpu.enqueue_indirect_dma source(%dma_start3A_198 : memref<100000x48xf32, #tpu.memory_space<hbm>>) target(%dma_start3A_193 : memref<128x48xf32, #tpu.memory_space<vmem>>) offsets(%dma_start3A_195 : memref<128xi32, #tpu.memory_space<vmem>>) semaphore(%arg23 : memref<!tpu.dma_semaphore, #tpu.memory_space<semaphore_mem>>)
      %dma_wait3A = arith.constant 0 : i32
      %dma_wait3A_199 = arith.constant 0 : i32
      %dma_wait3A_200 = tpu.memref_slice %arg15[%dma_wait3A, %dma_wait3A_199] : memref<256x16xf32, #tpu.memory_space<vmem>> -> memref<128x16xf32, #tpu.memory_space<vmem>>
      %dma_wait3A_201 = arith.constant 3072 : i32
      %dma_wait3A_202 = tpu.memref_slice %arg11[%dma_wait3A_201] : memref<3328xi32, #tpu.memory_space<vmem>> -> memref<128xi32, #tpu.memory_space<vmem>>
      %dma_wait3A_203 = arith.constant 0 : i32
      %dma_wait3A_204 = arith.constant 0 : i32
      %dma_wait3A_205 = tpu.memref_slice %arg6[%dma_wait3A_203, %dma_wait3A_204] : memref<128x16xf32, #tpu.memory_space<hbm>> -> memref<128x16xf32, #tpu.memory_space<hbm>>
      tpu.wait_indirect_dma semaphore(%arg23 : memref<!tpu.dma_semaphore, #tpu.memory_space<semaphore_mem>>) src(%dma_wait3A_205 : memref<128x16xf32, #tpu.memory_space<hbm>>) dst(%dma_wait3A_200 : memref<128x16xf32, #tpu.memory_space<vmem>>)
      %dma_wait3A_206 = arith.constant 128 : i32
      %dma_wait3A_207 = arith.constant 0 : i32
      %dma_wait3A_208 = tpu.memref_slice %arg15[%dma_wait3A_206, %dma_wait3A_207] : memref<256x16xf32, #tpu.memory_space<vmem>> -> memref<128x16xf32, #tpu.memory_space<vmem>>
      %dma_wait3A_209 = arith.constant 3200 : i32
      %dma_wait3A_210 = tpu.memref_slice %arg11[%dma_wait3A_209] : memref<3328xi32, #tpu.memory_space<vmem>> -> memref<128xi32, #tpu.memory_space<vmem>>
      %dma_wait3A_211 = arith.constant 0 : i32
      %dma_wait3A_212 = arith.constant 0 : i32
      %dma_wait3A_213 = tpu.memref_slice %arg6[%dma_wait3A_211, %dma_wait3A_212] : memref<128x16xf32, #tpu.memory_space<hbm>> -> memref<128x16xf32, #tpu.memory_space<hbm>>
      tpu.wait_indirect_dma semaphore(%arg23 : memref<!tpu.dma_semaphore, #tpu.memory_space<semaphore_mem>>) src(%dma_wait3A_213 : memref<128x16xf32, #tpu.memory_space<hbm>>) dst(%dma_wait3A_208 : memref<128x16xf32, #tpu.memory_space<vmem>>)
      %dma_wait3A_214 = arith.constant 0 : i32
      %dma_wait3A_215 = arith.constant 0 : i32
      %dma_wait3A_216 = tpu.memref_slice %arg16[%dma_wait3A_214, %dma_wait3A_215] : memref<256x32xf32, #tpu.memory_space<vmem>> -> memref<128x32xf32, #tpu.memory_space<vmem>>
      %dma_wait3A_217 = arith.constant 3072 : i32
      %dma_wait3A_218 = tpu.memref_slice %arg12[%dma_wait3A_217] : memref<3328xi32, #tpu.memory_space<vmem>> -> memref<128xi32, #tpu.memory_space<vmem>>
      %dma_wait3A_219 = arith.constant 0 : i32
      %dma_wait3A_220 = arith.constant 0 : i32
      %dma_wait3A_221 = tpu.memref_slice %arg7[%dma_wait3A_219, %dma_wait3A_220] : memref<1024x32xf32, #tpu.memory_space<hbm>> -> memref<1024x32xf32, #tpu.memory_space<hbm>>
      tpu.wait_indirect_dma semaphore(%arg23 : memref<!tpu.dma_semaphore, #tpu.memory_space<semaphore_mem>>) src(%dma_wait3A_221 : memref<1024x32xf32, #tpu.memory_space<hbm>>) dst(%dma_wait3A_216 : memref<128x32xf32, #tpu.memory_space<vmem>>)
      %dma_wait3A_222 = arith.constant 128 : i32
      %dma_wait3A_223 = arith.constant 0 : i32
      %dma_wait3A_224 = tpu.memref_slice %arg16[%dma_wait3A_222, %dma_wait3A_223] : memref<256x32xf32, #tpu.memory_space<vmem>> -> memref<128x32xf32, #tpu.memory_space<vmem>>
      %dma_wait3A_225 = arith.constant 3200 : i32
      %dma_wait3A_226 = tpu.memref_slice %arg12[%dma_wait3A_225] : memref<3328xi32, #tpu.memory_space<vmem>> -> memref<128xi32, #tpu.memory_space<vmem>>
      %dma_wait3A_227 = arith.constant 0 : i32
      %dma_wait3A_228 = arith.constant 0 : i32
      %dma_wait3A_229 = tpu.memref_slice %arg7[%dma_wait3A_227, %dma_wait3A_228] : memref<1024x32xf32, #tpu.memory_space<hbm>> -> memref<1024x32xf32, #tpu.memory_space<hbm>>
      tpu.wait_indirect_dma semaphore(%arg23 : memref<!tpu.dma_semaphore, #tpu.memory_space<semaphore_mem>>) src(%dma_wait3A_229 : memref<1024x32xf32, #tpu.memory_space<hbm>>) dst(%dma_wait3A_224 : memref<128x32xf32, #tpu.memory_space<vmem>>)
      %dma_wait3A_230 = arith.constant 0 : i32
      %dma_wait3A_231 = arith.constant 0 : i32
      %dma_wait3A_232 = tpu.memref_slice %arg17[%dma_wait3A_230, %dma_wait3A_231] : memref<256x32xf32, #tpu.memory_space<vmem>> -> memref<128x32xf32, #tpu.memory_space<vmem>>
      %dma_wait3A_233 = arith.constant 3072 : i32
      %dma_wait3A_234 = tpu.memref_slice %arg13[%dma_wait3A_233] : memref<3328xi32, #tpu.memory_space<vmem>> -> memref<128xi32, #tpu.memory_space<vmem>>
      %dma_wait3A_235 = arith.constant 0 : i32
      %dma_wait3A_236 = arith.constant 0 : i32
      %dma_wait3A_237 = tpu.memref_slice %arg8[%dma_wait3A_235, %dma_wait3A_236] : memref<16384x32xf32, #tpu.memory_space<hbm>> -> memref<16384x32xf32, #tpu.memory_space<hbm>>
      tpu.wait_indirect_dma semaphore(%arg23 : memref<!tpu.dma_semaphore, #tpu.memory_space<semaphore_mem>>) src(%dma_wait3A_237 : memref<16384x32xf32, #tpu.memory_space<hbm>>) dst(%dma_wait3A_232 : memref<128x32xf32, #tpu.memory_space<vmem>>)
      %dma_wait3A_238 = arith.constant 128 : i32
      %dma_wait3A_239 = arith.constant 0 : i32
      %dma_wait3A_240 = tpu.memref_slice %arg17[%dma_wait3A_238, %dma_wait3A_239] : memref<256x32xf32, #tpu.memory_space<vmem>> -> memref<128x32xf32, #tpu.memory_space<vmem>>
      %dma_wait3A_241 = arith.constant 3200 : i32
      %dma_wait3A_242 = tpu.memref_slice %arg13[%dma_wait3A_241] : memref<3328xi32, #tpu.memory_space<vmem>> -> memref<128xi32, #tpu.memory_space<vmem>>
      %dma_wait3A_243 = arith.constant 0 : i32
      %dma_wait3A_244 = arith.constant 0 : i32
      %dma_wait3A_245 = tpu.memref_slice %arg8[%dma_wait3A_243, %dma_wait3A_244] : memref<16384x32xf32, #tpu.memory_space<hbm>> -> memref<16384x32xf32, #tpu.memory_space<hbm>>
      tpu.wait_indirect_dma semaphore(%arg23 : memref<!tpu.dma_semaphore, #tpu.memory_space<semaphore_mem>>) src(%dma_wait3A_245 : memref<16384x32xf32, #tpu.memory_space<hbm>>) dst(%dma_wait3A_240 : memref<128x32xf32, #tpu.memory_space<vmem>>)
      %dma_wait3A_246 = arith.constant 0 : i32
      %dma_wait3A_247 = arith.constant 0 : i32
      %dma_wait3A_248 = tpu.memref_slice %arg18[%dma_wait3A_246, %dma_wait3A_247] : memref<256x48xf32, #tpu.memory_space<vmem>> -> memref<128x48xf32, #tpu.memory_space<vmem>>
      %dma_wait3A_249 = arith.constant 3072 : i32
      %dma_wait3A_250 = tpu.memref_slice %arg14[%dma_wait3A_249] : memref<3328xi32, #tpu.memory_space<vmem>> -> memref<128xi32, #tpu.memory_space<vmem>>
      %dma_wait3A_251 = arith.constant 0 : i32
      %dma_wait3A_252 = arith.constant 0 : i32
      %dma_wait3A_253 = tpu.memref_slice %arg9[%dma_wait3A_251, %dma_wait3A_252] : memref<100000x48xf32, #tpu.memory_space<hbm>> -> memref<100000x48xf32, #tpu.memory_space<hbm>>
      tpu.wait_indirect_dma semaphore(%arg23 : memref<!tpu.dma_semaphore, #tpu.memory_space<semaphore_mem>>) src(%dma_wait3A_253 : memref<100000x48xf32, #tpu.memory_space<hbm>>) dst(%dma_wait3A_248 : memref<128x48xf32, #tpu.memory_space<vmem>>)
      %dma_wait3A_254 = arith.constant 128 : i32
      %dma_wait3A_255 = arith.constant 0 : i32
      %dma_wait3A_256 = tpu.memref_slice %arg18[%dma_wait3A_254, %dma_wait3A_255] : memref<256x48xf32, #tpu.memory_space<vmem>> -> memref<128x48xf32, #tpu.memory_space<vmem>>
      %dma_wait3A_257 = arith.constant 3200 : i32
      %dma_wait3A_258 = tpu.memref_slice %arg14[%dma_wait3A_257] : memref<3328xi32, #tpu.memory_space<vmem>> -> memref<128xi32, #tpu.memory_space<vmem>>
      %dma_wait3A_259 = arith.constant 0 : i32
      %dma_wait3A_260 = arith.constant 0 : i32
      %dma_wait3A_261 = tpu.memref_slice %arg9[%dma_wait3A_259, %dma_wait3A_260] : memref<100000x48xf32, #tpu.memory_space<hbm>> -> memref<100000x48xf32, #tpu.memory_space<hbm>>
      tpu.wait_indirect_dma semaphore(%arg23 : memref<!tpu.dma_semaphore, #tpu.memory_space<semaphore_mem>>) src(%dma_wait3A_261 : memref<100000x48xf32, #tpu.memory_space<hbm>>) dst(%dma_wait3A_256 : memref<128x48xf32, #tpu.memory_space<vmem>>)
      %dma_start3A_262 = arith.constant 96 : i32
      %dma_start3A_263 = arith.constant 0 : i32
      %dma_start3A_264 = tpu.memref_slice %arg15[%dma_start3A_262, %dma_start3A_263] : memref<256x16xf32, #tpu.memory_space<vmem>> -> memref<160x16xf32, #tpu.memory_space<vmem>>
      %dma_start3A_265 = arith.constant 99840 : i32
      %dma_start3A_266 = arith.constant 0 : i32
      %dma_start3A_267 = tpu.memref_slice %arg10[%dma_start3A_265, %dma_start3A_266] : memref<100000x128xf32, #tpu.memory_space<hbm>> -> memref<160x16xf32, #tpu.memory_space<hbm>>
      %dma_start3A_268 = arith.constant 99840 : i32
      %dma_start3A_269 = arith.constant 0 : i32
      %dma_start3A_270 = tpu.memref_slice %arg10[%dma_start3A_268, %dma_start3A_269] : memref<100000x128xf32, #tpu.memory_space<hbm>> -> memref<160x16xf32, #tpu.memory_space<hbm>>
      %dma_start3A_271 = arith.constant 96 : i32
      %dma_start3A_272 = arith.constant 0 : i32
      %dma_start3A_273 = tpu.memref_slice %arg15[%dma_start3A_271, %dma_start3A_272] : memref<256x16xf32, #tpu.memory_space<vmem>> -> memref<160x16xf32, #tpu.memory_space<vmem>>
      tpu.enqueue_dma source(%dma_start3A_273 : memref<160x16xf32, #tpu.memory_space<vmem>>) target(%dma_start3A_270 : memref<160x16xf32, #tpu.memory_space<hbm>>) target_semaphore(%arg24 : memref<!tpu.dma_semaphore, #tpu.memory_space<semaphore_mem>>)
      %dma_start3A_274 = arith.constant 96 : i32
      %dma_start3A_275 = arith.constant 0 : i32
      %dma_start3A_276 = tpu.memref_slice %arg16[%dma_start3A_274, %dma_start3A_275] : memref<256x32xf32, #tpu.memory_space<vmem>> -> memref<160x32xf32, #tpu.memory_space<vmem>>
      %dma_start3A_277 = arith.constant 99840 : i32
      %dma_start3A_278 = arith.constant 16 : i32
      %dma_start3A_279 = tpu.memref_slice %arg10[%dma_start3A_277, %dma_start3A_278] : memref<100000x128xf32, #tpu.memory_space<hbm>> -> memref<160x32xf32, #tpu.memory_space<hbm>>
      %dma_start3A_280 = arith.constant 99840 : i32
      %dma_start3A_281 = arith.constant 16 : i32
      %dma_start3A_282 = tpu.memref_slice %arg10[%dma_start3A_280, %dma_start3A_281] : memref<100000x128xf32, #tpu.memory_space<hbm>> -> memref<160x32xf32, #tpu.memory_space<hbm>>
      %dma_start3A_283 = arith.constant 96 : i32
      %dma_start3A_284 = arith.constant 0 : i32
      %dma_start3A_285 = tpu.memref_slice %arg16[%dma_start3A_283, %dma_start3A_284] : memref<256x32xf32, #tpu.memory_space<vmem>> -> memref<160x32xf32, #tpu.memory_space<vmem>>
      tpu.enqueue_dma source(%dma_start3A_285 : memref<160x32xf32, #tpu.memory_space<vmem>>) target(%dma_start3A_282 : memref<160x32xf32, #tpu.memory_space<hbm>>) target_semaphore(%arg24 : memref<!tpu.dma_semaphore, #tpu.memory_space<semaphore_mem>>)
      %dma_start3A_286 = arith.constant 96 : i32
      %dma_start3A_287 = arith.constant 0 : i32
      %dma_start3A_288 = tpu.memref_slice %arg17[%dma_start3A_286, %dma_start3A_287] : memref<256x32xf32, #tpu.memory_space<vmem>> -> memref<160x32xf32, #tpu.memory_space<vmem>>
      %dma_start3A_289 = arith.constant 99840 : i32
      %dma_start3A_290 = arith.constant 48 : i32
      %dma_start3A_291 = tpu.memref_slice %arg10[%dma_start3A_289, %dma_start3A_290] : memref<100000x128xf32, #tpu.memory_space<hbm>> -> memref<160x32xf32, #tpu.memory_space<hbm>>
      %dma_start3A_292 = arith.constant 99840 : i32
      %dma_start3A_293 = arith.constant 48 : i32
      %dma_start3A_294 = tpu.memref_slice %arg10[%dma_start3A_292, %dma_start3A_293] : memref<100000x128xf32, #tpu.memory_space<hbm>> -> memref<160x32xf32, #tpu.memory_space<hbm>>
      %dma_start3A_295 = arith.constant 96 : i32
      %dma_start3A_296 = arith.constant 0 : i32
      %dma_start3A_297 = tpu.memref_slice %arg17[%dma_start3A_295, %dma_start3A_296] : memref<256x32xf32, #tpu.memory_space<vmem>> -> memref<160x32xf32, #tpu.memory_space<vmem>>
      tpu.enqueue_dma source(%dma_start3A_297 : memref<160x32xf32, #tpu.memory_space<vmem>>) target(%dma_start3A_294 : memref<160x32xf32, #tpu.memory_space<hbm>>) target_semaphore(%arg24 : memref<!tpu.dma_semaphore, #tpu.memory_space<semaphore_mem>>)
      %dma_start3A_298 = arith.constant 96 : i32
      %dma_start3A_299 = arith.constant 0 : i32
      %dma_start3A_300 = tpu.memref_slice %arg18[%dma_start3A_298, %dma_start3A_299] : memref<256x48xf32, #tpu.memory_space<vmem>> -> memref<160x48xf32, #tpu.memory_space<vmem>>
      %dma_start3A_301 = arith.constant 99840 : i32
      %dma_start3A_302 = arith.constant 80 : i32
      %dma_start3A_303 = tpu.memref_slice %arg10[%dma_start3A_301, %dma_start3A_302] : memref<100000x128xf32, #tpu.memory_space<hbm>> -> memref<160x48xf32, #tpu.memory_space<hbm>>
      %dma_start3A_304 = arith.constant 99840 : i32
      %dma_start3A_305 = arith.constant 80 : i32
      %dma_start3A_306 = tpu.memref_slice %arg10[%dma_start3A_304, %dma_start3A_305] : memref<100000x128xf32, #tpu.memory_space<hbm>> -> memref<160x48xf32, #tpu.memory_space<hbm>>
      %dma_start3A_307 = arith.constant 96 : i32
      %dma_start3A_308 = arith.constant 0 : i32
      %dma_start3A_309 = tpu.memref_slice %arg18[%dma_start3A_307, %dma_start3A_308] : memref<256x48xf32, #tpu.memory_space<vmem>> -> memref<160x48xf32, #tpu.memory_space<vmem>>
      tpu.enqueue_dma source(%dma_start3A_309 : memref<160x48xf32, #tpu.memory_space<vmem>>) target(%dma_start3A_306 : memref<160x48xf32, #tpu.memory_space<hbm>>) target_semaphore(%arg24 : memref<!tpu.dma_semaphore, #tpu.memory_space<semaphore_mem>>)
      %dma_wait3A_310 = arith.constant 96 : i32
      %dma_wait3A_311 = arith.constant 0 : i32
      %dma_wait3A_312 = tpu.memref_slice %arg15[%dma_wait3A_310, %dma_wait3A_311] : memref<256x16xf32, #tpu.memory_space<vmem>> -> memref<160x16xf32, #tpu.memory_space<vmem>>
      %dma_wait3A_313 = arith.constant 99840 : i32
      %dma_wait3A_314 = arith.constant 0 : i32
      %dma_wait3A_315 = tpu.memref_slice %arg10[%dma_wait3A_313, %dma_wait3A_314] : memref<100000x128xf32, #tpu.memory_space<hbm>> -> memref<160x16xf32, #tpu.memory_space<hbm>>
      %dma_wait3A_316 = arith.constant 99840 : i32
      %dma_wait3A_317 = arith.constant 0 : i32
      %dma_wait3A_318 = tpu.memref_slice %arg10[%dma_wait3A_316, %dma_wait3A_317] : memref<100000x128xf32, #tpu.memory_space<hbm>> -> memref<160x16xf32, #tpu.memory_space<hbm>>
      %dma_wait3A_319 = arith.constant 96 : i32
      %dma_wait3A_320 = arith.constant 0 : i32
      %dma_wait3A_321 = tpu.memref_slice %arg15[%dma_wait3A_319, %dma_wait3A_320] : memref<256x16xf32, #tpu.memory_space<vmem>> -> memref<160x16xf32, #tpu.memory_space<vmem>>
      tpu.wait_dma2 semaphore(%arg24 : memref<!tpu.dma_semaphore, #tpu.memory_space<semaphore_mem>>) src(%dma_wait3A_321 : memref<160x16xf32, #tpu.memory_space<vmem>>) dst(%dma_wait3A_318 : memref<160x16xf32, #tpu.memory_space<hbm>>)
      %dma_wait3A_322 = arith.constant 96 : i32
      %dma_wait3A_323 = arith.constant 0 : i32
      %dma_wait3A_324 = tpu.memref_slice %arg16[%dma_wait3A_322, %dma_wait3A_323] : memref<256x32xf32, #tpu.memory_space<vmem>> -> memref<160x32xf32, #tpu.memory_space<vmem>>
      %dma_wait3A_325 = arith.constant 99840 : i32
      %dma_wait3A_326 = arith.constant 16 : i32
      %dma_wait3A_327 = tpu.memref_slice %arg10[%dma_wait3A_325, %dma_wait3A_326] : memref<100000x128xf32, #tpu.memory_space<hbm>> -> memref<160x32xf32, #tpu.memory_space<hbm>>
      %dma_wait3A_328 = arith.constant 99840 : i32
      %dma_wait3A_329 = arith.constant 16 : i32
      %dma_wait3A_330 = tpu.memref_slice %arg10[%dma_wait3A_328, %dma_wait3A_329] : memref<100000x128xf32, #tpu.memory_space<hbm>> -> memref<160x32xf32, #tpu.memory_space<hbm>>
      %dma_wait3A_331 = arith.constant 96 : i32
      %dma_wait3A_332 = arith.constant 0 : i32
      %dma_wait3A_333 = tpu.memref_slice %arg16[%dma_wait3A_331, %dma_wait3A_332] : memref<256x32xf32, #tpu.memory_space<vmem>> -> memref<160x32xf32, #tpu.memory_space<vmem>>
      tpu.wait_dma2 semaphore(%arg24 : memref<!tpu.dma_semaphore, #tpu.memory_space<semaphore_mem>>) src(%dma_wait3A_333 : memref<160x32xf32, #tpu.memory_space<vmem>>) dst(%dma_wait3A_330 : memref<160x32xf32, #tpu.memory_space<hbm>>)
      %dma_wait3A_334 = arith.constant 96 : i32
      %dma_wait3A_335 = arith.constant 0 : i32
      %dma_wait3A_336 = tpu.memref_slice %arg17[%dma_wait3A_334, %dma_wait3A_335] : memref<256x32xf32, #tpu.memory_space<vmem>> -> memref<160x32xf32, #tpu.memory_space<vmem>>
      %dma_wait3A_337 = arith.constant 99840 : i32
      %dma_wait3A_338 = arith.constant 48 : i32
      %dma_wait3A_339 = tpu.memref_slice %arg10[%dma_wait3A_337, %dma_wait3A_338] : memref<100000x128xf32, #tpu.memory_space<hbm>> -> memref<160x32xf32, #tpu.memory_space<hbm>>
      %dma_wait3A_340 = arith.constant 99840 : i32
      %dma_wait3A_341 = arith.constant 48 : i32
      %dma_wait3A_342 = tpu.memref_slice %arg10[%dma_wait3A_340, %dma_wait3A_341] : memref<100000x128xf32, #tpu.memory_space<hbm>> -> memref<160x32xf32, #tpu.memory_space<hbm>>
      %dma_wait3A_343 = arith.constant 96 : i32
      %dma_wait3A_344 = arith.constant 0 : i32
      %dma_wait3A_345 = tpu.memref_slice %arg17[%dma_wait3A_343, %dma_wait3A_344] : memref<256x32xf32, #tpu.memory_space<vmem>> -> memref<160x32xf32, #tpu.memory_space<vmem>>
      tpu.wait_dma2 semaphore(%arg24 : memref<!tpu.dma_semaphore, #tpu.memory_space<semaphore_mem>>) src(%dma_wait3A_345 : memref<160x32xf32, #tpu.memory_space<vmem>>) dst(%dma_wait3A_342 : memref<160x32xf32, #tpu.memory_space<hbm>>)
      %dma_wait3A_346 = arith.constant 96 : i32
      %dma_wait3A_347 = arith.constant 0 : i32
      %dma_wait3A_348 = tpu.memref_slice %arg18[%dma_wait3A_346, %dma_wait3A_347] : memref<256x48xf32, #tpu.memory_space<vmem>> -> memref<160x48xf32, #tpu.memory_space<vmem>>
      %dma_wait3A_349 = arith.constant 99840 : i32
      %dma_wait3A_350 = arith.constant 80 : i32
      %dma_wait3A_351 = tpu.memref_slice %arg10[%dma_wait3A_349, %dma_wait3A_350] : memref<100000x128xf32, #tpu.memory_space<hbm>> -> memref<160x48xf32, #tpu.memory_space<hbm>>
      %dma_wait3A_352 = arith.constant 99840 : i32
      %dma_wait3A_353 = arith.constant 80 : i32
      %dma_wait3A_354 = tpu.memref_slice %arg10[%dma_wait3A_352, %dma_wait3A_353] : memref<100000x128xf32, #tpu.memory_space<hbm>> -> memref<160x48xf32, #tpu.memory_space<hbm>>
      %dma_wait3A_355 = arith.constant 96 : i32
      %dma_wait3A_356 = arith.constant 0 : i32
      %dma_wait3A_357 = tpu.memref_slice %arg18[%dma_wait3A_355, %dma_wait3A_356] : memref<256x48xf32, #tpu.memory_space<vmem>> -> memref<160x48xf32, #tpu.memory_space<vmem>>
      tpu.wait_dma2 semaphore(%arg24 : memref<!tpu.dma_semaphore, #tpu.memory_space<semaphore_mem>>) src(%dma_wait3A_357 : memref<160x48xf32, #tpu.memory_space<vmem>>) dst(%dma_wait3A_354 : memref<160x48xf32, #tpu.memory_space<hbm>>)
    } else {
    }
    return
  }
}

</mosaic_0001>

<sc_bundles>
// kernel: kernel.3.cloned.1.call-start
scs
__scs_entry_jumppad:
0x0: {  	(pc) =	sbr.rel $0x88, $3  }
0x1: {  	(tag) =	ssettag $0x0;
	lr =	simm.s32 $0x1  }
0x2: {  	[smem:$0x3F9C] =	sst lr;
	_ =	strace $0xD0000000  }
0x3: {  	_ = 	snop  }
0x4: {  	_ = 	snop  }
0x5: {  	_ = 	snop  }
0x6: {  	_ = 	snop  }
0x7: {  	_ = 	snop  }
__scs_overlays_trampoline_lowered:
0x8: {  	[smem:$0x3FAB] =	sst s0  }
0x9: {  	[smem:$0x3FAC] =	sst s1  }
0xa: {  	[smem:$0x3FAD] =	sst s2  }
0xb: {  	[smem:$0x3FAE] =	sst s3  }
0xc: {  	[smem:$0x3FAF] =	sst s4  }
0xd: {  	[smem:$0x3FB0] =	sst s5  }
0xe: {  	[smem:$0x3FB1] =	sst s6  }
0xf: {  	[smem:$0x3FB2] =	sst s7  }
0x10: {  	[smem:$0x3FB3] =	sst s8  }
0x11: {  	[smem:$0x3FB4] =	sst s9;
	s0 =	simm.s32 @!p0 $0x0  }
0x12: {  	s1 =	sld [smem:$0x3F9A];
	s0 =	simm.s32 @p0 $0x1  }
0x13: {  	[smem:$0x3FB5] =	sst s0;
	s0 =	simm.s32 @!p1 $0x0  }
0x14: {  	s2 =	sld [smem:$0x3F99];
	s0 =	simm.s32 @p1 $0x1  }
0x15: {  	[smem:$0x3FB6] =	sst s0;
	s0 =	simm.s32 @!p2 $0x0  }
0x16: {  	s3 =	sld [smem:$0x3FDB];
	s0 =	simm.s32 @p2 $0x1  }
0x17: {  	s4 =	simm.s32 $0x1BF5;
	[smem:$0x3FB8] =	sst s0  }
0x18: {  	s0 =	sld [smem:$0x3F9B];
	_ =	swait.ge [sflag:s4], $0x0  }
0x19: {  	s7 =	sld [smem:$0x3F9C]  }
0x1a: {  	s8 =	sadd.s32 $0xFFFFE003, lr  }
0x1b: {  	s9 =	sadd.s32 $0xFFFFFEF7, lr;
	s5 =	simm.s32 $0xFFFFFFFF;
	p2 =	slt.u32 s8, $0xFFFFF086  }
0x1c: {  	p1 =	slt.u32 s9, $0xF7A;
	s5 =	simm.s32 @!p2 $0x0  }
0x1d: {  	s5 =	simm.s32 @p1 $0x1;
	p0 =	seq.s32 s7, s2  }
0x1e: {  	s7 =	smul.u32 @!p0 $0xF7A, s2;
	p2 =	seq.s32 @!p0 s5, $0x0  }
0x1f: {  	s9 =	smul.u32 $0xF7A, s1;
	s8 =	simm.s32 @!p0 $0x1BF5;
	p2 =	por !p2, p0  }
0x20: {  	[sflag:s8] =	ssyncset.s32 @!p0 $0xFFFFF086;
	s6 =	sadd.s32 @!p0 s3, s7;
	s7 =	simm.s32 @!p0 $0x108  }
0x21: {  	s3 =	sadd.s32 s3, s9;
	s6 =	sadd.s32 @!p0 $0x88, s6;
	s7 =	simm.s32 @p2 $0x1082  }
0x22: {  	[simem:s7], [sflag:s8] =	dma.local @!p0 [hbm:s6], $0xF7A  }
0x23: {  	s9 =	sor.u32 $0xD0000000, s2;
	s6 =	simm.s32 $0x108;
	_ =	swait.ge @!p0 [sflag:s8], $0x0  }
0x24: {  	s3 =	sadd.s32 $0x88, s3;
	s6 =	simm.s32 @!p1 $0x1082;
	[sflag:s4] =	ssyncset.s32 $0xFFFFF086  }
0x25: {  	[simem:s6], [sflag:s4] =	dma.local [hbm:s3], $0xF7A  }
0x26: {  	[smem:$0x3F9C] =	sst s1;
	(tag) =	ssettag s2;
	_ =	strace s9  }
0x27: {  	s1 =	sld [smem:$0x3FAC]  }
0x28: {  	s2 =	sld [smem:$0x3FAD]  }
0x29: {  	s4 =	sld [smem:$0x3FAF]  }
0x2a: {  	p0 =	seq.s32 s5, $0x0;
	s5 =	sld [smem:$0x3FB0]  }
0x2b: {  	s6 =	sld [smem:$0x3FB1]  }
0x2c: {  	s7 =	sld [smem:$0x3FB2]  }
0x2d: {  	s3 =	simm.s32 $0x108;
	s8 =	sld [smem:$0x3FB3]  }
0x2e: {  	s3 =	simm.s32 @!p0 $0x1082;
	s9 =	sld [smem:$0x3FB4]  }
0x2f: {  	lr =	sadd.s32 s0, s3;
	s0 =	sld [smem:$0x3FAB]  }
0x30: {  	s3 =	sld [smem:$0x3FAE]  }
0x31: {  	[smem:$0x3FB7] =	sst s10  }
0x32: {  	s10 =	sld [smem:$0x3FB5];
	_ =	sdelay $0x3  }
0x33: {  	p0 =	seq.s32 s10, $0x1;
	s10 =	sld [smem:$0x3FB7];
	_ =	sdelay $0x3  }
0x34: {  	[smem:$0x3FB7] =	sst s10  }
0x35: {  	s10 =	sld [smem:$0x3FB6];
	_ =	sdelay $0x3  }
0x36: {  	p1 =	seq.s32 s10, $0x1;
	s10 =	sld [smem:$0x3FB7];
	_ =	sdelay $0x3  }
0x37: {  	[smem:$0x3FB7] =	sst s10  }
0x38: {  	s10 =	sld [smem:$0x3FB8]  }
0x39: {  	_ = 	snop;
	(pc) =	sbr.ind lr, $3  }
0x3a: {  	_ = 	snop  }
0x3b: {  	_ = 	snop  }
0x3c: {  	p2 =	seq.s32 s10, $0x1;
	s10 =	sld [smem:$0x3FB7]  }
0x3d: {  	_ =	shalt  }
0x3e: {  	_ =	shalt  }
0x3f: {  	_ =	shalt  }
0x40: {  	_ =	shalt  }
0x41: {  	_ =	shalt  }
0x42: {  	_ =	shalt  }
0x43: {  	_ =	shalt  }
0x44: {  	_ =	shalt  }
0x45: {  	_ =	shalt  }
0x46: {  	_ =	shalt  }
0x47: {  	_ =	shalt  }
0x48: {  	_ =	shalt  }
0x49: {  	_ =	shalt  }
0x4a: {  	_ =	shalt  }
0x4b: {  	_ =	shalt  }
0x4c: {  	_ =	shalt  }
0x4d: {  	_ =	shalt  }
0x4e: {  	_ =	shalt  }
0x4f: {  	_ =	shalt  }
0x50: {  	_ =	shalt  }
0x51: {  	_ =	shalt  }
0x52: {  	_ =	shalt  }
0x53: {  	_ =	shalt  }
0x54: {  	_ =	shalt  }
0x55: {  	_ =	shalt  }
0x56: {  	_ =	shalt  }
0x57: {  	_ =	shalt  }
0x58: {  	_ =	shalt  }
0x59: {  	_ =	shalt  }
0x5a: {  	_ =	shalt  }
0x5b: {  	_ =	shalt  }
0x5c: {  	_ =	shalt  }
0x5d: {  	_ =	shalt  }
0x5e: {  	_ =	shalt  }
0x5f: {  	_ =	shalt  }
0x60: {  	_ =	shalt  }
0x61: {  	_ =	shalt  }
0x62: {  	_ =	shalt  }
0x63: {  	_ =	shalt  }
0x64: {  	_ =	shalt  }
0x65: {  	_ =	shalt  }
0x66: {  	_ =	shalt  }
0x67: {  	_ =	shalt  }
0x68: {  	_ =	shalt  }
0x69: {  	_ =	shalt  }
0x6a: {  	_ =	shalt  }
0x6b: {  	_ =	shalt  }
0x6c: {  	_ =	shalt  }
0x6d: {  	_ =	shalt  }
0x6e: {  	_ =	shalt  }
0x6f: {  	_ =	shalt  }
0x70: {  	_ =	shalt  }
0x71: {  	_ =	shalt  }
0x72: {  	_ =	shalt  }
0x73: {  	_ =	shalt  }
0x74: {  	_ =	shalt  }
0x75: {  	_ =	shalt  }
0x76: {  	_ =	shalt  }
0x77: {  	_ =	shalt  }
0x78: {  	_ =	shalt  }
0x79: {  	_ =	shalt  }
0x7a: {  	_ =	shalt  }
0x7b: {  	_ =	shalt  }
0x7c: {  	_ =	shalt  }
0x7d: {  	_ =	shalt  }
0x7e: {  	_ =	shalt  }
0x7f: {  	_ =	shalt  }
0x80: {  	_ =	shalt  }
0x81: {  	_ =	shalt  }
0x82: {  	_ =	shalt  }
0x83: {  	_ =	shalt  }
0x84: {  	_ =	shalt  }
0x85: {  	_ =	shalt  }
0x86: {  	_ =	shalt  }
0x87: {  	_ =	shalt  }
.Lfunc_end0:
.L_simem_size_0:
called_computation_lowered:
.L_overlay_start_0:
0x88: {  	s2 =	sld [smem:$0x3FD9]  }
0x89: {  	s3 =	sld [smem:$0x3FFE];
	_ =	sdelay $0x1  }
0x8a: {  	s1 =	srdreg.scid  }
0x8b: {  	s0 =	sand.u32 $0x1, s1  }
0x8c: {  	s17 =	sshll.u32 s0, $0xA;
	s2 =	sadd.s32 s3, s2  }
0x8d: {  	s2 =	sadd.s32 s2, s17  }
0x8e: {  	[smem:$0x3FC3] =	sst s2  }
0x8f: {  	_ = 	snop  }
0x90: {  	s2 =	sld [smem:$0x3FD0];
	(tm) =	ssettm $0x1  }
0x91: {  	s18 =	sld [smem:$0x3FFB];
	_ =	sdelay $0x3  }
0x92: {  	_ =	strace s18  }
0x93: {  	s3 =	sld [smem:$0x3FFC];
	_ =	sdelay $0x3  }
0x94: {  	_ =	strace s3  }
0x95: {  	s3 =	sld [smem:$0x3FFD];
	_ =	sdelay $0x3  }
0x96: {  	_ =	strace s3  }
0x97: {  	_ =	strace $0x8FFFFFFF  }
0x98: {  	s19 =	sld [smem:$0x3FDB];
	_ =	sdelay $0x1  }
0x99: {  	s4 =	simm.s32 $_scs_section_size  }
0x9a: {  	s5 =	simm.s32 $_size__tile_overlayer_lowered;
	s6 =	simm.s32 $_tile_overlayer_lowered  }
0x9b: {  	s22 =	simm.s32 $0x1BFF;
	s21 =	sshll.u32 s6, $0x1;
	s3 =	sadd.s32 s4, s19  }
0x9c: {  	s7 =	simm.s32 $0x0;
	s20 =	sshll.u32 s5, $0x1;
	s5 =	sadd.s32 s21, s3  }
0x9d: {  	[timem:s7], [sflag:s22] =	dma.local [hbm:s5], s20  }
0x9e: {  	_ =	swait.ge [sflag:s22], s20  }
0x9f: {  	s4 =	ssub.s32 $0x0, s20;
	[sflag:s22] =	ssyncset.done $0x0  }
0xa0: {  	[sflag:s22] =	ssyncadd.s32 s4;
	_ =	sdelay $0x1  }
0xa1: {  	s23 =	simm.s32 $0x1B8B  }
0xa2: {  	_ =	swait.ge [sflag:s23], $0x1  }
0xa3: {  	[sflag:s23] =	ssyncset.done $0x0  }
0xa4: {  	s25 =	simm.s32 $0x1B8E;
	s24 =	sld [smem:$0x3FFE];
	[sflag:s23] =	ssyncadd.s32 $0xFFFFFFFF  }
0xa5: {  	s26 =	simm.s32 $execute0_lowered;
	[smem:$0x3FD2] =	sst s25  }
0xa6: {  	s5 =	sshll.u32 s26, $0x1;
	_ =	strace $0x80000046;
	[dreg:$0x1] =	wrdreg $0xFFFFFFFF  }
0xa7: {  	s28 =	simm.s32 $_size_execute0_lowered;
	s3 =	sadd.s32 s3, s5;
	[dreg:$0x0] =	wrdreg $0x0  }
0xa8: {  	s5 =	sshll.u32 s28, $0x1;
	[dreg:$0x2] =	wrdreg s3  }
0xa9: {  	[dreg:$0x3] =	wrdreg s5  }
0xaa: {  	[dreg:$0x4] =	wrdreg $0xC0  }
0xab: {  	_ =	task [dreg:s7], $0x5FFFF  }
0xac: {  	[dreg:$0x1] =	wrdreg $0xFFFFFFFF  }
0xad: {  	[dreg:$0x0] =	wrdreg $0x60  }
0xae: {  	[dreg:$0x2] =	wrdreg s24  }
0xaf: {  	[dreg:$0x3] =	wrdreg s2  }
0xb0: {  	[dreg:$0x4] =	wrdreg $0x9  }
0xb1: {  	_ =	task.clear_ibuf [dreg:s7], $0x5FFFF;
	_ =	strace $0x90000046  }
0xb2: {  	s29 =	simm.s32 $0x9;
	_ =	strace $0x80000048  }
0xb3: {  	_ =	swait.ge [sflag:s29], $0x1  }
0xb4: {  	[sflag:s29] =	ssyncadd.s32 $0xFFFFFFFF  }
0xb5: {  	_ =	strace $0x90000048  }
0xb6: {  	_ =	sfence  }
0xb7: {  	s30 =	sld [smem:$0x0];
	_ =	sdelay $0x2  }
0xb8: {  	s31 =	sshll.u32 s1, $0xD;
	s1 =	sshrl.u32 s1, $0x2  }
0xb9: {  	s3 =	sand.u32 $0x4000, s31;
	s1 =	sadd.s32 s1, s30  }
0xba: {  	s0 =	sor.u32 s3, s0;
	s1 =	sshll.u32 s1, $0x11  }
0xbb: {  	s0 =	sor.u32 s1, s0  }
0xbc: {  	s0 =	sadd.s32 $0x8F2B, s0  }
0xbd: {  	[sflag:s0] =	ssyncadd.remote.s32 $0x1  }
0xbe: {  	_ =	sfence.sel $0xFFFF  }
0xbf: {  	[dreg:$0x0] =	wrdreg $0xFFFFFFFF;
	(pc) =	sbr.abs _section_cstart, $3  }
0xc0: {  	[dreg:$0x1] =	wrdreg $0xFFFFFFFF  }
0xc1: {  	_ =	task.clear_ibuf [dreg:s7], $0x2FFFF;
	_ =	strace $0x9FFFFFFF  }
0xc2: {  	(tm) =	ssettm $0x7FFFFFFF  }
0xc3: {  	_ =	shalt  }
tec
execute0_lowered:
.L_overlay_start_1:
0x0: {  	(tag) =	ssettag $0x1  }
0x1: {  	s0 =	srdreg.scid;
	s2 =	rddreg [dreg:$0x0]  }
0x2: {  	s15 =	stileid.u32;
	s12 =	rddreg [dreg:$0x1]  }
0x3: {  	s4 =	simm.s32 $0x0;
	s7 =	simm.s32 $0xD;
	s30 =	simm.s32 $0x4400  }
0x4: {  	s29 =	simm.s32 $0x30;
	s28 =	simm.s32 $0xB400;
	s31 =	simm.s32 $0x10400  }
0x5: {  	s0 =	sand.u32 $0x1, s0;
	s1 =	sshll.u32 s15, $0x1;
	[smem:$0x7FF] =	sst s4  }
0x6: {  	s4 =	sadd.s32 $0x200, s2;
	s5 =	sadd.s32 $0xDA00, s2;
	s16 =	sadd.s32 $0xD8B4, s2  }
0x7: {  	s17 =	sadd.s32 $0xA6B4, s2;
	_ =	strace $0x80000047;
	[dreg:$0x5] =	wrdreg s16  }
0x8: {  	s6 =	sadd.s32 $0x1DA00, s2;
	s19 =	sadd.s32 $0x74B4, s2;
	[dreg:$0x6] =	wrdreg s17  }
0x9: {  	p0 =	slt.u32 s15, $0x3;
	s20 =	sadd.s32 $0x42B4, s2;
	[dreg:$0x7] =	wrdreg s19  }
0xa: {  	s21 =	sadd.s32 $0x186000, s12;
	s22 =	sadd.s32 $0x186002, s12;
	[dreg:$0x8] =	wrdreg s20  }
0xb: {  	s23 =	smul.u32 $0x18000, s15;
	s24 =	sadd.s32 $0x186006, s12;
	[dreg:$0x9] =	wrdreg s21  }
0xc: {  	s25 =	sadd.s32 $0x18600A, s12;
	s1 =	sor.u32 s0, s1;
	[dreg:$0xa] =	wrdreg s22  }
0xd: {  	s8 =	ssub.s32 $0x2, s0;
	s7 =	simm.s32 @!p0 $0xC;
	[dreg:$0xb] =	wrdreg s24  }
0xe: {  	s0 =	smul.u32 $0xC000, s0;
	[dreg:$0xc] =	wrdreg s25;
	s22 =	simm.s32 $0x2  }
0xf: {  	s24 =	simm.s32 $0x2;
	s25 =	simm.s32 $0x80;
	s19 =	simm.s32 $0x8400  }
0x10: {  	s16 =	simm.s32 $0x10;
	s17 =	simm.s32 $0xE400;
	s3 =	smul.u32 $0xC, s1  }
0x11: {  	s13 =	smin.u32 s1, $0x6;
	s9 =	sshrl.u32 s8, $0x1;
	s18 =	sand.u32 $0x1, s7  }
0x12: {  	p1 =	sne.s32 s1, $0x1F;
	s1 =	simm.s32 $0xC400;
	s14 =	ssub.s32 s8, s9  }
0x13: {  	p0 =	seq.s32 s18, $0x1;
	s0 =	sadd.s32 s0, s23;
	s18 =	simm.s32 $0x20  }
0x14: {  	s3 =	sadd.s32 s13, s3;
	s13 =	sshll.u32 s13, $0xC;
	s26 =	smax.u32 s14, $0x1  }
0x15: {  	[dreg:$0xe] =	wrdreg s0;
	s24 =	simm.s32 @!p0 $0x3;
	s3 =	sshll.u32 s3, $0x5  }
.Ltmp0:
0x16: {  	p0 =	sgt.u32 s15, $0x2;
	s3 =	sadd.s32 s3, s2;
	(pc) =	sbr.rel .LBB2_1-.Ltmp0, $4  }
0x17: {  	s0 =	simm.s32 $0x1;
	[dreg:$0xd] =	wrdreg s26;
	s10 =	sadd.s32 $0xA800, s3  }
0x18: {  	s21 =	sadd.s32 s13, s12;
	s11 =	sadd.s32 $0x7600, s3;
	[dreg:$0x3] =	wrdreg s10  }
0x19: {  	s26 =	simm.s32 $0x3400;
	s12 =	simm.s32 $0x0;
	[dreg:$0x4] =	wrdreg s11  }
0x1a: {  	s10 =	sadd.s32 $0x4400, s3;
	s11 =	sadd.s32 $0x1200, s3;
	s3 =	simm.s32 $0x6400  }
.LBB2_9:
0x1b: {  	s12 =	sadd.s32 $0x1, s12;
	s8 =	rddreg [dreg:$0xd]  }
0x1c: {  	p2 =	sne.s32 s12, s8  }
.Ltmp1:
0x1d: {  	_ = 	snop;
	(pc) =	sbr.rel @!p2 .LBB2_10-.Ltmp1, $1  }
0x1e: {  	_ =	sdelay $0x3  }
.LBB2_1:
0x1f: {  	s13 =	simm.s32 @p0 $0x0;
	s8 =	rddreg [dreg:$0x3]  }
0x20: {  	[tilespmem:s13], [sflag:$0x1] =	stream.linear.gather @p0 [hbm4b:s8+s13], $0xC00, $0x38;
	[tilespmem:$0x13400] =	vst v63  }
0x21: {  	s15 =	simm.s32 @p0 $0xD00;
	s9 =	rddreg [dreg:$0x4]  }
0x22: {  	[tilespmem:s15], [sflag:$0x1] =	stream.linear.gather @p0 [hbm4b:s9+s13], $0xC00, $0x38;
	[tilespmem:$0x13400] =	vst v63  }
0x23: {  	s15 =	simm.s32 @p0 $0x1A00  }
0x24: {  	[tilespmem:s15], [sflag:$0x1] =	stream.linear.gather @p0 [hbm4b:s10+s13], $0xC00, $0x38;
	[tilespmem:$0x13400] =	vst v63  }
0x25: {  	s15 =	simm.s32 @p0 $0x2700  }
0x26: {  	[tilespmem:s15], [sflag:$0x1] =	stream.linear.gather @p0 [hbm4b:s11+s13], $0xC00, $0x38;
	[tilespmem:$0x13400] =	vst v63  }
0x27: {  	s13 =	simm.s32 @p0 $0x1  }
0x28: {  	_ =	swait.ge @p0 [sflag:s13], $0xC00  }
0x29: {  	[sflag:s13] =	ssyncset.done @p0 $0x0  }
0x2a: {  	[sflag:s13] =	ssyncadd.s32 @p0 $0xFFFFF400  }
0x2b: {  	_ =	swait.ge @p0 [sflag:s13], $0xC00  }
0x2c: {  	[sflag:s13] =	ssyncset.done @p0 $0x0  }
0x2d: {  	[sflag:s13] =	ssyncadd.s32 @p0 $0xFFFFF400  }
0x2e: {  	_ =	swait.ge @p0 [sflag:s13], $0xC00  }
0x2f: {  	[sflag:s13] =	ssyncset.done @p0 $0x0  }
0x30: {  	[sflag:s13] =	ssyncadd.s32 @p0 $0xFFFFF400  }
0x31: {  	_ =	swait.ge @p0 [sflag:s13], $0xC00  }
0x32: {  	[sflag:s13] =	ssyncset.done @p0 $0x0  }
0x33: {  	[sflag:s13] =	ssyncadd.s32 @p0 $0xFFFFF400;
	s13 =	simm.s32 @!p0 $0x0  }
0x34: {  	[tilespmem:s13], [sflag:$0x1] =	stream.linear.gather @!p0 [hbm4b:s8+s13], $0xD00, $0x38;
	[tilespmem:$0x13400] =	vst v63  }
0x35: {  	s15 =	simm.s32 @!p0 $0xD00  }
0x36: {  	[tilespmem:s15], [sflag:$0x1] =	stream.linear.gather @!p0 [hbm4b:s9+s13], $0xD00, $0x38;
	[tilespmem:$0x13400] =	vst v63  }
0x37: {  	s15 =	simm.s32 @!p0 $0x1A00  }
0x38: {  	[tilespmem:s15], [sflag:$0x1] =	stream.linear.gather @!p0 [hbm4b:s10+s13], $0xD00, $0x38;
	[tilespmem:$0x13400] =	vst v63  }
0x39: {  	s15 =	simm.s32 @!p0 $0x2700  }
0x3a: {  	[tilespmem:s15], [sflag:$0x1] =	stream.linear.gather @!p0 [hbm4b:s11+s13], $0xD00, $0x38;
	[tilespmem:$0x13400] =	vst v63  }
0x3b: {  	s13 =	simm.s32 @!p0 $0x1  }
0x3c: {  	_ =	swait.ge @!p0 [sflag:s13], $0xD00  }
0x3d: {  	[sflag:s13] =	ssyncset.done @!p0 $0x0  }
0x3e: {  	[sflag:s13] =	ssyncadd.s32 @!p0 $0xFFFFF300  }
0x3f: {  	_ =	swait.ge @!p0 [sflag:s13], $0xD00  }
0x40: {  	[sflag:s13] =	ssyncset.done @!p0 $0x0  }
0x41: {  	[sflag:s13] =	ssyncadd.s32 @!p0 $0xFFFFF300  }
0x42: {  	_ =	swait.ge @!p0 [sflag:s13], $0xD00  }
0x43: {  	[sflag:s13] =	ssyncset.done @!p0 $0x0  }
0x44: {  	[sflag:s13] =	ssyncadd.s32 @!p0 $0xFFFFF300  }
0x45: {  	_ =	swait.ge @!p0 [sflag:s13], $0xD00  }
0x46: {  	s15 =	simm.s32 @!p1 $0xC00;
	[sflag:s13] =	ssyncset.done @!p0 $0x0  }
0x47: {  	s8 =	rddreg [dreg:$0x5];
	[sflag:s13] =	ssyncadd.s32 @!p0 $0xFFFFF300;
	s13 =	simm.s32 @!p1 $0x0  }
0x48: {  	[tilespmem:s15], [sflag:$0x1] =	stream.linear.gather @!p1 [hbm4b:s8+s13], $0x100, $0x38;
	[tilespmem:$0x13400] =	vst v63  }
0x49: {  	s15 =	simm.s32 @!p1 $0x1900;
	s8 =	rddreg [dreg:$0x6]  }
0x4a: {  	[tilespmem:s15], [sflag:$0x1] =	stream.linear.gather @!p1 [hbm4b:s8+s13], $0x100, $0x38;
	[tilespmem:$0x13400] =	vst v63  }
0x4b: {  	s15 =	simm.s32 @!p1 $0x2600;
	s8 =	rddreg [dreg:$0x7]  }
0x4c: {  	[tilespmem:s15], [sflag:$0x1] =	stream.linear.gather @!p1 [hbm4b:s8+s13], $0x100, $0x38;
	[tilespmem:$0x13400] =	vst v63  }
0x4d: {  	s15 =	simm.s32 @!p1 $0x3300;
	s8 =	rddreg [dreg:$0x8]  }
0x4e: {  	[tilespmem:s15], [sflag:$0x1] =	stream.linear.gather @!p1 [hbm4b:s8+s13], $0x100, $0x38;
	[tilespmem:$0x13400] =	vst v63  }
0x4f: {  	s13 =	simm.s32 @!p1 $0x1  }
0x50: {  	_ =	swait.ge @!p1 [sflag:s13], $0x100  }
0x51: {  	[sflag:s13] =	ssyncset.done @!p1 $0x0  }
0x52: {  	[sflag:s13] =	ssyncadd.s32 @!p1 $0xFFFFFF00  }
0x53: {  	_ =	swait.ge @!p1 [sflag:s13], $0x100  }
0x54: {  	[sflag:s13] =	ssyncset.done @!p1 $0x0  }
0x55: {  	[sflag:s13] =	ssyncadd.s32 @!p1 $0xFFFFFF00  }
0x56: {  	_ =	swait.ge @!p1 [sflag:s13], $0x100  }
0x57: {  	[sflag:s13] =	ssyncset.done @!p1 $0x0  }
0x58: {  	[sflag:s13] =	ssyncadd.s32 @!p1 $0xFFFFFF00  }
0x59: {  	_ =	swait.ge @!p1 [sflag:s13], $0x100  }
0x5a: {  	[sflag:s13] =	ssyncset.done @!p1 $0x0  }
0x5b: {  	[sflag:s13] =	ssyncadd.s32 @!p1 $0xFFFFFF00;
	s13 =	simm.s32 $0x0  }
0x5c: {  	[tilespmem:s26], [sflag:$0x1] =	stream.indirect.gather [hbm4b:s2+s25], $0x10, s13, s25, $0xb8;
	[tilespmem:$0x13400] =	vst v63  }
0x5d: {  	s14 =	simm.s32 $0x3C00  }
0x5e: {  	[tilespmem:s14], [sflag:$0x1] =	stream.indirect.gather [hbm4b:s2+s25], $0x10, s25, s25, $0xb8;
	[tilespmem:$0x13400] =	vst v63  }
0x5f: {  	s15 =	simm.s32 $0xD00  }
0x60: {  	[tilespmem:s30], [sflag:$0x1] =	stream.indirect.gather [hbm4b:s4+s25], $0x20, s15, s25, $0xb8;
	[tilespmem:$0x13400] =	vst v63  }
0x61: {  	s20 =	simm.s32 $0xD80;
	s23 =	simm.s32 $0x5400  }
0x62: {  	[tilespmem:s23], [sflag:$0x1] =	stream.indirect.gather [hbm4b:s4+s25], $0x20, s20, s25, $0xb8;
	[tilespmem:$0x13400] =	vst v63  }
0x63: {  	s9 =	simm.s32 $0x1A00  }
0x64: {  	[tilespmem:s3], [sflag:$0x1] =	stream.indirect.gather [hbm4b:s5+s25], $0x20, s9, s25, $0xb8;
	[tilespmem:$0x13400] =	vst v63  }
0x65: {  	s13 =	simm.s32 $0x1A80;
	s14 =	simm.s32 $0x7400  }
0x66: {  	[tilespmem:s14], [sflag:$0x1] =	stream.indirect.gather [hbm4b:s5+s25], $0x20, s13, s25, $0xb8;
	[tilespmem:$0x13400] =	vst v63  }
.Ltmp2:
0x67: {  	s15 =	simm.s32 $0x2700;
	(pc) =	sbr.rel .LBB2_2-.Ltmp2, $4  }
0x68: {  	[tilespmem:s19], [sflag:$0x1] =	stream.indirect.gather [hbm4b:s6+s25], $0x30, s15, s25, $0xb8;
	[tilespmem:$0x13400] =	vst v63  }
0x69: {  	s20 =	simm.s32 $0x2780;
	s23 =	simm.s32 $0x9C00  }
0x6a: {  	[tilespmem:s23], [sflag:$0x1] =	stream.indirect.gather [hbm4b:s6+s25], $0x30, s20, s25, $0xb8;
	[tilespmem:$0x13400] =	vst v63  }
0x6b: {  	s13 =	simm.s32 $0x0;
	s15 =	simm.s32 $0x0;
	s23 =	rddreg [dreg:$0xe]  }
.LBB2_6:
0x6c: {  	s15 =	sadd.s32 $0x800, s15  }
0x6d: {  	p2 =	sne.s32 s15, $0x3800  }
.Ltmp3:
0x6e: {  	_ = 	snop;
	(pc) =	sbr.rel @!p2 .LBB2_7-.Ltmp3, $2  }
0x6f: {  	_ =	sdelay $0x2  }
0x70: {  	s23 =	sadd.s32 $0x2000, s23;
	s13 =	sadd.s32 $0x2, s13  }
.LBB2_2:
0x71: {  	p2 =	sge.u32 s13, s7  }
.Ltmp4:
0x72: {  	_ = 	snop;
	(pc) =	sbr.rel @p2 .LBB2_4-.Ltmp4, $1  }
0x73: {  	_ =	sdelay $0x3  }
0x74: {  	_ =	swait.ge [sflag:s0], $0x800  }
0x75: {  	[sflag:s0] =	ssyncset.done $0x0  }
0x76: {  	[sflag:s0] =	ssyncadd.s32 $0xFFFFF800  }
0x77: {  	_ =	swait.ge [sflag:s0], $0x800  }
0x78: {  	[sflag:s0] =	ssyncset.done $0x0  }
0x79: {  	[sflag:s0] =	ssyncadd.s32 $0xFFFFF800  }
0x7a: {  	_ =	swait.ge [sflag:s0], $0x1000  }
0x7b: {  	[sflag:s0] =	ssyncset.done $0x0  }
0x7c: {  	[sflag:s0] =	ssyncadd.s32 $0xFFFFF000  }
0x7d: {  	_ =	swait.ge [sflag:s0], $0x1000  }
0x7e: {  	[sflag:s0] =	ssyncset.done $0x0  }
0x7f: {  	[sflag:s0] =	ssyncadd.s32 $0xFFFFF000  }
0x80: {  	_ =	swait.ge [sflag:s0], $0x1000  }
0x81: {  	[sflag:s0] =	ssyncset.done $0x0  }
0x82: {  	[sflag:s0] =	ssyncadd.s32 $0xFFFFF000  }
0x83: {  	_ =	swait.ge [sflag:s0], $0x1000  }
0x84: {  	[sflag:s0] =	ssyncset.done $0x0  }
0x85: {  	[sflag:s0] =	ssyncadd.s32 $0xFFFFF000  }
0x86: {  	_ =	swait.ge [sflag:s0], $0x1800  }
0x87: {  	[sflag:s0] =	ssyncset.done $0x0  }
0x88: {  	[sflag:s0] =	ssyncadd.s32 $0xFFFFE800  }
0x89: {  	_ =	swait.ge [sflag:s0], $0x1800  }
0x8a: {  	[sflag:s0] =	ssyncset.done $0x0  }
0x8b: {  	s20 =	sadd.s32 s23, s21;
	[sflag:s0] =	ssyncadd.s32 $0xFFFFE800  }
0x8c: {  	[hbm4b:s20+s16] =	stream.strided.scatter [tilespmem:s26], [sflag:$0x2], $0x1000, s25, s16, $0x38;
	[tilespmem:$0x13400] =	vst v63  }
0x8d: {  	s14 =	sadd.s32 $0x2, s20  }
0x8e: {  	[hbm4b:s14+s18] =	stream.strided.scatter [tilespmem:s30], [sflag:$0x2], $0x2000, s25, s18, $0x38;
	[tilespmem:$0x13400] =	vst v63  }
0x8f: {  	p3 =	seq.s32 s15, $0x0;
	s9 =	sadd.s32 $0x6, s20  }
0x90: {  	[hbm4b:s9+s18] =	stream.strided.scatter [tilespmem:s3], [sflag:$0x2], $0x2000, s25, s18, $0x38;
	[tilespmem:$0x13400] =	vst v63  }
0x91: {  	s8 =	sadd.s32 $0xA, s20;
	s14 =	simm.s32 @!p3 $0x3  }
0x92: {  	[hbm4b:s8+s29] =	stream.strided.scatter [tilespmem:s19], [sflag:$0x2], $0x3000, s25, s29, $0x38;
	[tilespmem:$0x13400] =	vst v63  }
0x93: {  	_ =	swait.ge @!p3 [sflag:s14], $0x1000  }
0x94: {  	[sflag:s14] =	ssyncset.done @!p3 $0x0  }
0x95: {  	[sflag:s14] =	ssyncadd.s32 @!p3 $0xFFFFF000  }
0x96: {  	_ =	swait.ge @!p3 [sflag:s14], $0x2000  }
0x97: {  	[sflag:s14] =	ssyncset.done @!p3 $0x0  }
0x98: {  	[sflag:s14] =	ssyncadd.s32 @!p3 $0xFFFFE000  }
0x99: {  	_ =	swait.ge @!p3 [sflag:s14], $0x2000  }
0x9a: {  	[sflag:s14] =	ssyncset.done @!p3 $0x0  }
0x9b: {  	[sflag:s14] =	ssyncadd.s32 @!p3 $0xFFFFE000  }
0x9c: {  	s9 =	sadd.s32 $0x1, s13;
	_ =	swait.ge @!p3 [sflag:s14], $0x3000  }
0x9d: {  	p2 =	sge.u32 s9, s7;
	[sflag:s14] =	ssyncset.done @!p3 $0x0  }
0x9e: {  	[sflag:s14] =	ssyncadd.s32 @!p3 $0xFFFFD000;
	s14 =	sshra.s32 @!p2 s15, $0x2  }
0x9f: {  	s8 =	simm.s32 @!p2 $0x80;
	s9 =	simm.s32 @!p2 $0xB400;
	s20 =	sadd.s32 @!p2 $0x100, s14  }
0xa0: {  	[tilespmem:s9], [sflag:$0x1] =	stream.indirect.gather @!p2 [hbm4b:s2+s8], $0x10, s20, s8, $0xb8;
	[tilespmem:$0x13400] =	vst v63  }
0xa1: {  	s9 =	sadd.s32 @!p2 $0x180, s14;
	s20 =	simm.s32 @!p2 $0xBC00  }
0xa2: {  	[tilespmem:s20], [sflag:$0x1] =	stream.indirect.gather @!p2 [hbm4b:s2+s8], $0x10, s9, s8, $0xb8;
	[tilespmem:$0x13400] =	vst v63  }
0xa3: {  	s9 =	sadd.s32 @!p2 $0xE00, s14;
	s20 =	simm.s32 @!p2 $0xC400  }
0xa4: {  	[tilespmem:s20], [sflag:$0x1] =	stream.indirect.gather @!p2 [hbm4b:s4+s8], $0x20, s9, s8, $0xb8;
	[tilespmem:$0x13400] =	vst v63  }
0xa5: {  	s9 =	sadd.s32 @!p2 $0xE80, s14;
	s20 =	simm.s32 @!p2 $0xD400  }
0xa6: {  	[tilespmem:s20], [sflag:$0x1] =	stream.indirect.gather @!p2 [hbm4b:s4+s8], $0x20, s9, s8, $0xb8;
	[tilespmem:$0x13400] =	vst v63  }
0xa7: {  	s9 =	sadd.s32 @!p2 $0x1B00, s14;
	s20 =	simm.s32 @!p2 $0xE400  }
0xa8: {  	[tilespmem:s20], [sflag:$0x1] =	stream.indirect.gather @!p2 [hbm4b:s5+s8], $0x20, s9, s8, $0xb8;
	[tilespmem:$0x13400] =	vst v63  }
0xa9: {  	s9 =	sadd.s32 @!p2 $0x1B80, s14;
	s20 =	simm.s32 @!p2 $0xF400  }
0xaa: {  	[tilespmem:s20], [sflag:$0x1] =	stream.indirect.gather @!p2 [hbm4b:s5+s8], $0x20, s9, s8, $0xb8;
	[tilespmem:$0x13400] =	vst v63  }
0xab: {  	s9 =	sadd.s32 @!p2 $0x2800, s14;
	s20 =	simm.s32 @!p2 $0x10400  }
0xac: {  	[tilespmem:s20], [sflag:$0x1] =	stream.indirect.gather @!p2 [hbm4b:s6+s8], $0x30, s9, s8, $0xb8;
	[tilespmem:$0x13400] =	vst v63  }
0xad: {  	s9 =	sadd.s32 @!p2 $0x2880, s14;
	s14 =	simm.s32 @!p2 $0x11C00  }
0xae: {  	[tilespmem:s14], [sflag:$0x1] =	stream.indirect.gather @!p2 [hbm4b:s6+s8], $0x30, s9, s8, $0xb8;
	[tilespmem:$0x13400] =	vst v63  }
.LBB2_4:
0xaf: {  	s8 =	sadd.s32 $0x1, s13  }
0xb0: {  	p2 =	sge.u32 s8, s7  }
.Ltmp5:
0xb1: {  	_ = 	snop;
	(pc) =	sbr.rel @p2 .LBB2_6-.Ltmp5, $1  }
0xb2: {  	_ =	sdelay $0x3  }
0xb3: {  	_ =	swait.ge [sflag:s0], $0x800  }
0xb4: {  	[sflag:s0] =	ssyncset.done $0x0  }
0xb5: {  	[sflag:s0] =	ssyncadd.s32 $0xFFFFF800  }
0xb6: {  	_ =	swait.ge [sflag:s0], $0x800  }
0xb7: {  	[sflag:s0] =	ssyncset.done $0x0  }
0xb8: {  	[sflag:s0] =	ssyncadd.s32 $0xFFFFF800  }
0xb9: {  	_ =	swait.ge [sflag:s0], $0x1000  }
0xba: {  	[sflag:s0] =	ssyncset.done $0x0  }
0xbb: {  	[sflag:s0] =	ssyncadd.s32 $0xFFFFF000  }
0xbc: {  	_ =	swait.ge [sflag:s0], $0x1000  }
0xbd: {  	[sflag:s0] =	ssyncset.done $0x0  }
0xbe: {  	[sflag:s0] =	ssyncadd.s32 $0xFFFFF000  }
0xbf: {  	_ =	swait.ge [sflag:s0], $0x1000  }
0xc0: {  	[sflag:s0] =	ssyncset.done $0x0  }
0xc1: {  	[sflag:s0] =	ssyncadd.s32 $0xFFFFF000  }
0xc2: {  	_ =	swait.ge [sflag:s0], $0x1000  }
0xc3: {  	[sflag:s0] =	ssyncset.done $0x0  }
0xc4: {  	[sflag:s0] =	ssyncadd.s32 $0xFFFFF000  }
0xc5: {  	_ =	swait.ge [sflag:s0], $0x1800  }
0xc6: {  	[sflag:s0] =	ssyncset.done $0x0  }
0xc7: {  	[sflag:s0] =	ssyncadd.s32 $0xFFFFE800  }
0xc8: {  	_ =	swait.ge [sflag:s0], $0x1800  }
0xc9: {  	s8 =	sadd.s32 s23, s21;
	[sflag:s0] =	ssyncset.done $0x0  }
0xca: {  	s9 =	sadd.s32 $0x1000, s8;
	[sflag:s0] =	ssyncadd.s32 $0xFFFFE800  }
0xcb: {  	[hbm4b:s9+s16] =	stream.strided.scatter [tilespmem:s28], [sflag:$0x3], $0x1000, s25, s16, $0x38;
	[tilespmem:$0x13400] =	vst v63  }
0xcc: {  	s20 =	sadd.s32 $0x1002, s8  }
0xcd: {  	[hbm4b:s20+s18] =	stream.strided.scatter [tilespmem:s1], [sflag:$0x3], $0x2000, s25, s18, $0x38;
	[tilespmem:$0x13400] =	vst v63  }
0xce: {  	s14 =	sadd.s32 $0x1006, s8  }
0xcf: {  	[hbm4b:s14+s18] =	stream.strided.scatter [tilespmem:s17], [sflag:$0x3], $0x2000, s25, s18, $0x38;
	[tilespmem:$0x13400] =	vst v63  }
0xd0: {  	s8 =	sadd.s32 $0x100A, s8  }
0xd1: {  	[hbm4b:s8+s29] =	stream.strided.scatter [tilespmem:s31], [sflag:$0x3], $0x3000, s25, s29, $0x38;
	[tilespmem:$0x13400] =	vst v63  }
0xd2: {  	_ =	swait.ge [sflag:s22], $0x1000  }
0xd3: {  	[sflag:s22] =	ssyncset.done $0x0  }
0xd4: {  	[sflag:s22] =	ssyncadd.s32 $0xFFFFF000  }
0xd5: {  	_ =	swait.ge [sflag:s22], $0x2000  }
0xd6: {  	[sflag:s22] =	ssyncset.done $0x0  }
0xd7: {  	[sflag:s22] =	ssyncadd.s32 $0xFFFFE000  }
0xd8: {  	_ =	swait.ge [sflag:s22], $0x2000  }
0xd9: {  	[sflag:s22] =	ssyncset.done $0x0  }
0xda: {  	s20 =	sadd.s32 $0x2, s13;
	[sflag:s22] =	ssyncadd.s32 $0xFFFFE000  }
0xdb: {  	p2 =	sge.u32 s20, s7;
	_ =	swait.ge [sflag:s22], $0x3000  }
0xdc: {  	s14 =	simm.s32 @!p2 $0x80;
	s8 =	sshra.s32 @!p2 s15, $0x2;
	[sflag:s22] =	ssyncset.done $0x0  }
0xdd: {  	s20 =	simm.s32 @!p2 $0x3400;
	s9 =	sadd.s32 @!p2 $0x200, s8;
	[sflag:s22] =	ssyncadd.s32 $0xFFFFD000  }
0xde: {  	[tilespmem:s20], [sflag:$0x1] =	stream.indirect.gather @!p2 [hbm4b:s2+s14], $0x10, s9, s14, $0xb8;
	[tilespmem:$0x13400] =	vst v63  }
0xdf: {  	s9 =	sadd.s32 @!p2 $0x280, s8;
	s20 =	simm.s32 @!p2 $0x3C00  }
0xe0: {  	[tilespmem:s20], [sflag:$0x1] =	stream.indirect.gather @!p2 [hbm4b:s2+s14], $0x10, s9, s14, $0xb8;
	[tilespmem:$0x13400] =	vst v63  }
0xe1: {  	s9 =	sadd.s32 @!p2 $0xF00, s8;
	s20 =	simm.s32 @!p2 $0x4400  }
0xe2: {  	[tilespmem:s20], [sflag:$0x1] =	stream.indirect.gather @!p2 [hbm4b:s4+s14], $0x20, s9, s14, $0xb8;
	[tilespmem:$0x13400] =	vst v63  }
0xe3: {  	s9 =	sadd.s32 @!p2 $0xF80, s8;
	s20 =	simm.s32 @!p2 $0x5400  }
0xe4: {  	[tilespmem:s20], [sflag:$0x1] =	stream.indirect.gather @!p2 [hbm4b:s4+s14], $0x20, s9, s14, $0xb8;
	[tilespmem:$0x13400] =	vst v63  }
0xe5: {  	s9 =	sadd.s32 @!p2 $0x1C00, s8;
	s20 =	simm.s32 @!p2 $0x6400  }
0xe6: {  	[tilespmem:s20], [sflag:$0x1] =	stream.indirect.gather @!p2 [hbm4b:s5+s14], $0x20, s9, s14, $0xb8;
	[tilespmem:$0x13400] =	vst v63  }
0xe7: {  	s9 =	sadd.s32 @!p2 $0x1C80, s8;
	s20 =	simm.s32 @!p2 $0x7400  }
0xe8: {  	[tilespmem:s20], [sflag:$0x1] =	stream.indirect.gather @!p2 [hbm4b:s5+s14], $0x20, s9, s14, $0xb8;
	[tilespmem:$0x13400] =	vst v63  }
.Ltmp6:
0xe9: {  	_ = 	snop;
	(pc) =	sbr.rel .LBB2_6-.Ltmp6, $4  }
0xea: {  	s9 =	sadd.s32 @!p2 $0x2900, s8;
	s20 =	simm.s32 @!p2 $0x8400  }
0xeb: {  	[tilespmem:s20], [sflag:$0x1] =	stream.indirect.gather @!p2 [hbm4b:s6+s14], $0x30, s9, s14, $0xb8;
	[tilespmem:$0x13400] =	vst v63  }
0xec: {  	s8 =	sadd.s32 @!p2 $0x2980, s8;
	s9 =	simm.s32 @!p2 $0x9C00  }
0xed: {  	[tilespmem:s9], [sflag:$0x1] =	stream.indirect.gather @!p2 [hbm4b:s6+s14], $0x30, s8, s14, $0xb8;
	[tilespmem:$0x13400] =	vst v63  }
.LBB2_7:
0xee: {  	_ =	swait.ge [sflag:s24], $0x1000  }
0xef: {  	[sflag:s24] =	ssyncset.done $0x0  }
0xf0: {  	[sflag:s24] =	ssyncadd.s32 $0xFFFFF000  }
0xf1: {  	_ =	swait.ge [sflag:s24], $0x2000  }
0xf2: {  	[sflag:s24] =	ssyncset.done $0x0  }
0xf3: {  	[sflag:s24] =	ssyncadd.s32 $0xFFFFE000  }
0xf4: {  	_ =	swait.ge [sflag:s24], $0x2000  }
.Ltmp7:
0xf5: {  	[sflag:s24] =	ssyncset.done $0x0;
	(pc) =	sbr.rel @p1 .LBB2_9-.Ltmp7, $4  }
0xf6: {  	[sflag:s24] =	ssyncadd.s32 $0xFFFFE000  }
0xf7: {  	_ =	swait.ge [sflag:s24], $0x3000  }
0xf8: {  	[sflag:s24] =	ssyncset.done $0x0  }
0xf9: {  	[sflag:s24] =	ssyncadd.s32 $0xFFFFD000  }
0xfa: {  	s8 =	simm.s32 $0xC00  }
0xfb: {  	[tilespmem:s26], [sflag:$0x1] =	stream.indirect.gather [hbm4b:s2+s25], $0x10, s8, s25, $0xb8;
	[tilespmem:$0x13400] =	vst v63  }
0xfc: {  	s23 =	simm.s32 $0x3C00;
	s9 =	simm.s32 $0xC80  }
0xfd: {  	[tilespmem:s23], [sflag:$0x1] =	stream.indirect.gather [hbm4b:s2+s25], $0x10, s9, s25, $0xb8;
	[tilespmem:$0x13400] =	vst v63  }
0xfe: {  	s9 =	simm.s32 $0x1900  }
0xff: {  	[tilespmem:s30], [sflag:$0x1] =	stream.indirect.gather [hbm4b:s4+s25], $0x20, s9, s25, $0xb8;
	[tilespmem:$0x13400] =	vst v63  }
0x100: {  	s13 =	simm.s32 $0x5400;
	s14 =	simm.s32 $0x1980  }
0x101: {  	[tilespmem:s13], [sflag:$0x1] =	stream.indirect.gather [hbm4b:s4+s25], $0x20, s14, s25, $0xb8;
	[tilespmem:$0x13400] =	vst v63  }
0x102: {  	s15 =	simm.s32 $0x2600  }
0x103: {  	[tilespmem:s3], [sflag:$0x1] =	stream.indirect.gather [hbm4b:s5+s25], $0x20, s15, s25, $0xb8;
	[tilespmem:$0x13400] =	vst v63  }
0x104: {  	s20 =	simm.s32 $0x7400;
	s23 =	simm.s32 $0x2680  }
0x105: {  	[tilespmem:s20], [sflag:$0x1] =	stream.indirect.gather [hbm4b:s5+s25], $0x20, s23, s25, $0xb8;
	[tilespmem:$0x13400] =	vst v63  }
0x106: {  	s13 =	simm.s32 $0x3300  }
0x107: {  	[tilespmem:s19], [sflag:$0x1] =	stream.indirect.gather [hbm4b:s6+s25], $0x30, s13, s25, $0xb8;
	[tilespmem:$0x13400] =	vst v63  }
0x108: {  	s14 =	simm.s32 $0x9C00;
	s15 =	simm.s32 $0x3380  }
0x109: {  	[tilespmem:s14], [sflag:$0x1] =	stream.indirect.gather [hbm4b:s6+s25], $0x30, s15, s25, $0xb8;
	[tilespmem:$0x13400] =	vst v63  }
0x10a: {  	_ =	swait.ge [sflag:s0], $0x800  }
0x10b: {  	[sflag:s0] =	ssyncset.done $0x0  }
0x10c: {  	[sflag:s0] =	ssyncadd.s32 $0xFFFFF800  }
0x10d: {  	_ =	swait.ge [sflag:s0], $0x800  }
0x10e: {  	[sflag:s0] =	ssyncset.done $0x0  }
0x10f: {  	[sflag:s0] =	ssyncadd.s32 $0xFFFFF800  }
0x110: {  	_ =	swait.ge [sflag:s0], $0x1000  }
0x111: {  	[sflag:s0] =	ssyncset.done $0x0  }
0x112: {  	[sflag:s0] =	ssyncadd.s32 $0xFFFFF000  }
0x113: {  	_ =	swait.ge [sflag:s0], $0x1000  }
0x114: {  	[sflag:s0] =	ssyncset.done $0x0  }
0x115: {  	[sflag:s0] =	ssyncadd.s32 $0xFFFFF000  }
0x116: {  	_ =	swait.ge [sflag:s0], $0x1000  }
0x117: {  	[sflag:s0] =	ssyncset.done $0x0  }
0x118: {  	[sflag:s0] =	ssyncadd.s32 $0xFFFFF000  }
0x119: {  	_ =	swait.ge [sflag:s0], $0x1000  }
0x11a: {  	[sflag:s0] =	ssyncset.done $0x0  }
0x11b: {  	[sflag:s0] =	ssyncadd.s32 $0xFFFFF000  }
0x11c: {  	_ =	swait.ge [sflag:s0], $0x1800  }
0x11d: {  	[sflag:s0] =	ssyncset.done $0x0  }
0x11e: {  	[sflag:s0] =	ssyncadd.s32 $0xFFFFE800  }
0x11f: {  	_ =	swait.ge [sflag:s0], $0x1800  }
0x120: {  	[sflag:s0] =	ssyncset.done $0x0  }
0x121: {  	s23 =	simm.s32 $0x3A00;
	s20 =	rddreg [dreg:$0x9];
	[sflag:s0] =	ssyncadd.s32 $0xFFFFE800  }
0x122: {  	[hbm4b:s20+s16] =	stream.strided.scatter [tilespmem:s23], [sflag:$0x2], $0xA00, s25, s16, $0x38;
	[tilespmem:$0x13400] =	vst v63  }
0x123: {  	s13 =	simm.s32 $0x5000;
	s9 =	rddreg [dreg:$0xa]  }
0x124: {  	[hbm4b:s9+s18] =	stream.strided.scatter [tilespmem:s13], [sflag:$0x2], $0x1400, s25, s18, $0x38;
	[tilespmem:$0x13400] =	vst v63  }
0x125: {  	s15 =	simm.s32 $0x7000;
	s14 =	rddreg [dreg:$0xb]  }
0x126: {  	[hbm4b:s14+s18] =	stream.strided.scatter [tilespmem:s15], [sflag:$0x2], $0x1400, s25, s18, $0x38;
	[tilespmem:$0x13400] =	vst v63  }
0x127: {  	s20 =	rddreg [dreg:$0xc];
	s23 =	simm.s32 $0x9600  }
0x128: {  	[hbm4b:s20+s29] =	stream.strided.scatter [tilespmem:s23], [sflag:$0x2], $0x1E00, s25, s29, $0x38;
	[tilespmem:$0x13400] =	vst v63  }
0x129: {  	_ =	swait.ge [sflag:s22], $0xA00  }
0x12a: {  	[sflag:s22] =	ssyncset.done $0x0  }
0x12b: {  	[sflag:s22] =	ssyncadd.s32 $0xFFFFF600  }
0x12c: {  	_ =	swait.ge [sflag:s22], $0x1400  }
0x12d: {  	[sflag:s22] =	ssyncset.done $0x0  }
0x12e: {  	[sflag:s22] =	ssyncadd.s32 $0xFFFFEC00  }
0x12f: {  	_ =	swait.ge [sflag:s22], $0x1400  }
.Ltmp8:
0x130: {  	[sflag:s22] =	ssyncset.done $0x0;
	(pc) =	sbr.rel .LBB2_9-.Ltmp8, $4  }
0x131: {  	[sflag:s22] =	ssyncadd.s32 $0xFFFFEC00  }
0x132: {  	_ =	swait.ge [sflag:s22], $0x1E00  }
0x133: {  	[sflag:s22] =	ssyncset.done $0x0  }
0x134: {  	[sflag:s22] =	ssyncadd.s32 $0xFFFFE200  }
.LBB2_10:
0x135: {  	_ =	sfence.sel $0x180000  }
0x136: {  	[bflag:$0x0] =	sbarrier.arrive $0xFFFF  }
0x137: {  	_ =	strace $0x90000047  }
0x138: {  	s0 =	stileid.u32;
	[bflag:$0x2] =	sbarrier.arrive $0xFFFF  }
0x139: {  	p0 =	sne.s32 s0, $0x0;
	s0 =	rddreg [dreg:$0x2]  }
0x13a: {  	s0 =	sadd.s32 @!p0 $0x100000, s0  }
0x13b: {  	[sflag:s0] =	ssyncadd.tile.s32 @!p0 $0x1;
	_ =	shalt  }
.Lfunc_end2:
_tile_overlayer_lowered:
.L_overlay_start_2:
0x13c: {  	(tag) =	ssettag $0x2  }
0x13d: {  	s0 =	rddreg [dreg:$0x0];
	s2 =	stileid.u32  }
0x13e: {  	s1 =	rddreg [dreg:$0x1];
	p0 =	sne.s32 s2, $0x0  }
0x13f: {  	s3 =	rddreg [dreg:$0x2];
	[bflag:$0x3] =	sbarrier.arrive $0xFFFF;
	s2 =	simm.s32 @!p0 $0x1C04  }
0x140: {  	[timem:s3], [sflag:s2] =	dma.local @!p0 [hbm:s0], s1  }
0x141: {  	s0 =	simm.s32 @!p0 $0x4  }
0x142: {  	_ =	swait.ge @!p0 [sflag:s0], s1  }
0x143: {  	s1 =	ssub.s32 @!p0 $0x0, s1;
	[sflag:s0] =	ssyncset.done @!p0 $0x0  }
0x144: {  	[sflag:s0] =	ssyncadd.s32 @!p0 s1  }
0x145: {  	[bflag:$0x3] =	sbarrier.arrive $0xFFFF  }
0x146: {  	_ =	shalt  }

</sc_bundles>
